<compile_context>
chip_gen: v7x
topology: tpu7x:2x2x1
jax: 0.10.2.dev20260603
libtpu: 0.0.44.dev20260713+nightly
codegen_flags: <defaults>
</compile_context>

<pallas_src>
import functools

import jax
import jax.numpy as jnp
from jax import lax
from jax.experimental import pallas as pl
from jax.experimental.pallas import tpu as pltpu
from jax.experimental.pallas import tpu_sc as plsc

_NUM_CORES = 2
_NUM_SUBCORES = 16
_NUM_WORKERS = _NUM_CORES * _NUM_SUBCORES

_NCHUNKS = 2


def _sc_gather(pos_table, pid):
    S, D = pos_table.shape
    n = pid.shape[0]
    rows_per_w = n // _NUM_WORKERS
    chunk = min(rows_per_w, 32)
    n_chunks = rows_per_w // chunk

    mesh = plsc.VectorSubcoreMesh(
        core_axis_name="c",
        subcore_axis_name="s",
        num_cores=_NUM_CORES,
        num_subcores=_NUM_SUBCORES,
    )
    nbuf = 3

    @functools.partial(
        pl.kernel,
        out_type=jax.ShapeDtypeStruct((n, D), pos_table.dtype),
        mesh=mesh,
        scratch_types=[
            pltpu.VMEM((rows_per_w,), jnp.int32),
        ]
        + [pltpu.VMEM((chunk, D), pos_table.dtype) for _ in range(nbuf)]
        + [pltpu.SemaphoreType.DMA for _ in range(2 * nbuf)],
    )
    def gather_kernel(table_hbm, idx_hbm, out_hbm, idx_v, *scratch):
        bufs = scratch[:nbuf]
        gsems = scratch[nbuf : 2 * nbuf]
        ssems = scratch[2 * nbuf :]
        wid = lax.axis_index("s") * _NUM_CORES + lax.axis_index("c")
        base = wid * rows_per_w
        pltpu.sync_copy(idx_hbm.at[pl.ds(base, rows_per_w)], idx_v)

        def g_start(c):
            slot = c % nbuf
            pltpu.async_copy(
                table_hbm.at[idx_v.at[pl.ds(c * chunk, chunk)]], bufs[slot], gsems[slot]
            )

        def g_wait(c):
            slot = c % nbuf
            pltpu.make_async_copy(
                table_hbm.at[idx_v.at[pl.ds(0, chunk)]], bufs[slot], gsems[slot]
            ).wait()

        def s_start(c):
            slot = c % nbuf
            pltpu.async_copy(
                bufs[slot], out_hbm.at[pl.ds(base + c * chunk, chunk)], ssems[slot]
            )

        def s_wait(c):
            slot = c % nbuf
            pltpu.make_async_copy(
                bufs[slot], out_hbm.at[pl.ds(base, chunk)], ssems[slot]
            ).wait()

        for c in range(min(2, n_chunks)):
            g_start(c)
        for c in range(n_chunks):
            g_wait(c)
            s_start(c)
            if c + 2 < n_chunks:
                if c - 1 >= 0:
                    s_wait(c - 1)
                g_start(c + 2)
        for c in range(max(0, n_chunks - 3), n_chunks):
            s_wait(c)

    return gather_kernel(pos_table, pid)


def _tc_add_chunk(x, emb_c, prev, c0, bs):
    B, S, D = x.shape
    cs = emb_c.shape[0]
    sb0 = c0 // bs

    grid = (cs // bs, B)
    x_spec = pl.BlockSpec((1, bs, D), lambda s, b: (b, sb0 + s, 0))
    e_spec = pl.BlockSpec((bs, D), lambda s, b: (s, 0))
    o_spec = pl.BlockSpec((1, bs, D), lambda s, b: (b, sb0 + s, 0))
    out_shape = jax.ShapeDtypeStruct((B, S, D), x.dtype)

    if prev is None:

        def add_body(x_ref, e_ref, o_ref):
            o_ref[...] = x_ref[...] + e_ref[...]

        return pl.pallas_call(
            add_body,
            grid=grid,
            in_specs=[x_spec, e_spec],
            out_specs=o_spec,
            out_shape=out_shape,
        )(x, emb_c)

    def add_body2(prev_ref, x_ref, e_ref, o_ref):
        del prev_ref
        o_ref[...] = x_ref[...] + e_ref[...]

    return pl.pallas_call(
        add_body2,
        grid=grid,
        in_specs=[pl.BlockSpec(memory_space=pl.ANY), x_spec, e_spec],
        out_specs=o_spec,
        out_shape=out_shape,
        input_output_aliases={0: 0},
    )(prev, x, emb_c)


@jax.jit
def kernel(x, position_ids, pos_table):
    B, S, D = x.shape
    pid = position_ids.reshape(-1)[:S].astype(jnp.int32)
    cs = S // _NCHUNKS
    bs = min(cs, 2048)

    out = None
    for c in range(_NCHUNKS):
        emb_c = _sc_gather(pos_table, pid[c * cs : (c + 1) * cs])
        out = _tc_add_chunk(x, emb_c, out, c * cs, bs)
    return out

# --- scband reference (transcript-rebuilt; emitter-appended) ---
"""Pipeline reference for scband-learnt-positional-encoding-730144440858 (READ-ONLY COPY).

The authoritative reference and input builder live on the scoring server;
editing this copy changes nothing except your own understanding.
"""

import jax, jax.numpy as jnp
import numpy as np


def setup_inputs(seed: int = 0) -> dict:
    key = jax.random.key(seed)
    k1, k2 = jax.random.split(key)
    B, S, D = 4, 8192, 1024
    x = jax.random.normal(k1, (B, S, D), dtype=jnp.float32)
    position_ids = jnp.arange(S, dtype=jnp.int64).reshape(1, S)
    # learned positional embedding table: nn.Embedding(max_seq_length, d_model)
    pos_table = jax.random.normal(k2, (S, D), dtype=jnp.float32) * 0.02
    return {"x": x, "position_ids": position_ids, "pos_table": pos_table}


def reference(x, position_ids, pos_table):
    B, S = x.shape[0], x.shape[1]
    # position_ids = position_ids[:, :x.size(1)] then expand(x.size(0), -1)
    pid = jnp.broadcast_to(position_ids[:, :S], (B, S))
    # embedding lookup -> gather rows of the table
    emb = jnp.take(pos_table, pid, axis=0)
    return x + emb

if __name__ == "__main__":
    import jax
    _d = setup_inputs()
    print(jax.jit(kernel)(*tuple(_d.values())))

</pallas_src>

<mosaic_0001>
#map = affine_map<(d0, d1) -> (0, 0)>
#map1 = affine_map<(d0, d1) -> (0)>
module attributes {stable_mosaic.version = 14 : i64} {
  func.func @gather_kernel(%arg0: i32, %arg1: i32, %arg2: memref<8192x1024xf32, #tpu.memory_space<hbm>>, %arg3: memref<4096xi32, #tpu.memory_space<hbm>>, %arg4: memref<4096x1024xf32, #tpu.memory_space<hbm>>, %arg5: memref<128xi32, #tpu.memory_space<vmem>>, %arg6: memref<32x1024xf32, #tpu.memory_space<vmem>>, %arg7: memref<32x1024xf32, #tpu.memory_space<vmem>>, %arg8: memref<32x1024xf32, #tpu.memory_space<vmem>>, %arg9: memref<!tpu.dma_semaphore, #tpu.memory_space<semaphore_mem>>, %arg10: memref<!tpu.dma_semaphore, #tpu.memory_space<semaphore_mem>>, %arg11: memref<!tpu.dma_semaphore, #tpu.memory_space<semaphore_mem>>, %arg12: memref<!tpu.dma_semaphore, #tpu.memory_space<semaphore_mem>>, %arg13: memref<!tpu.dma_semaphore, #tpu.memory_space<semaphore_mem>>, %arg14: memref<!tpu.dma_semaphore, #tpu.memory_space<semaphore_mem>>) attributes {dimension_semantics = [#tpu.dimension_semantics<core_parallel>, #tpu.dimension_semantics<subcore_parallel>], iteration_bounds = array<i64: 2, 16>, scalar_prefetch = 0 : i64, scratch_operands = 10 : i64, tpu.core_type = #tpu.core_type<sc_vector_subcore>, window_params = [{transform_indices = #map}, {transform_indices = #map1}, {transform_indices = #map}]} {
    %mul3A = arith.constant 2 : i32
    %mul3A_0 = arith.muli %arg1, %mul3A : i32
    %add3A = arith.addi %mul3A_0, %arg0 : i32
    %mul3A_1 = arith.constant 128 : i32
    %mul3A_2 = arith.muli %add3A, %mul3A_1 : i32
    "tpu.region"() ({
      %run_scoped3A = tpu.sem_alloc : memref<!tpu.dma_semaphore, #tpu.memory_space<semaphore_mem>>
      %dma_start3A_81 = tpu.memref_slice %arg3[%mul3A_2] : memref<4096xi32, #tpu.memory_space<hbm>> -> memref<128xi32, #tpu.memory_space<hbm>>
      %dma_start3A_82 = tpu.memref_slice %arg3[%mul3A_2] : memref<4096xi32, #tpu.memory_space<hbm>> -> memref<128xi32, #tpu.memory_space<hbm>>
      tpu.enqueue_dma source(%dma_start3A_82 : memref<128xi32, #tpu.memory_space<hbm>>) target(%arg5 : memref<128xi32, #tpu.memory_space<vmem>>) target_semaphore(%run_scoped3A : memref<!tpu.dma_semaphore, #tpu.memory_space<semaphore_mem>>)
      %dma_wait3A_83 = tpu.memref_slice %arg3[%mul3A_2] : memref<4096xi32, #tpu.memory_space<hbm>> -> memref<128xi32, #tpu.memory_space<hbm>>
      %dma_wait3A_84 = tpu.memref_slice %arg3[%mul3A_2] : memref<4096xi32, #tpu.memory_space<hbm>> -> memref<128xi32, #tpu.memory_space<hbm>>
      tpu.wait_dma2 semaphore(%run_scoped3A : memref<!tpu.dma_semaphore, #tpu.memory_space<semaphore_mem>>) src(%dma_wait3A_84 : memref<128xi32, #tpu.memory_space<hbm>>) dst(%arg5 : memref<128xi32, #tpu.memory_space<vmem>>)
      tpu.yield
    }) : () -> ()
    %dma_start3A = arith.constant 0 : i32
    %dma_start3A_3 = tpu.memref_slice %arg5[%dma_start3A] : memref<128xi32, #tpu.memory_space<vmem>> -> memref<32xi32, #tpu.memory_space<vmem>>
    %dma_start3A_4 = arith.constant 0 : i32
    %dma_start3A_5 = arith.constant 0 : i32
    %dma_start3A_6 = tpu.memref_slice %arg2[%dma_start3A_4, %dma_start3A_5] : memref<8192x1024xf32, #tpu.memory_space<hbm>> -> memref<8192x1024xf32, #tpu.memory_space<hbm>>
    tpu.enqueue_indirect_dma source(%dma_start3A_6 : memref<8192x1024xf32, #tpu.memory_space<hbm>>) target(%arg6 : memref<32x1024xf32, #tpu.memory_space<vmem>>) offsets(%dma_start3A_3 : memref<32xi32, #tpu.memory_space<vmem>>) semaphore(%arg9 : memref<!tpu.dma_semaphore, #tpu.memory_space<semaphore_mem>>)
    %dma_start3A_7 = arith.constant 32 : i32
    %dma_start3A_8 = tpu.memref_slice %arg5[%dma_start3A_7] : memref<128xi32, #tpu.memory_space<vmem>> -> memref<32xi32, #tpu.memory_space<vmem>>
    %dma_start3A_9 = arith.constant 0 : i32
    %dma_start3A_10 = arith.constant 0 : i32
    %dma_start3A_11 = tpu.memref_slice %arg2[%dma_start3A_9, %dma_start3A_10] : memref<8192x1024xf32, #tpu.memory_space<hbm>> -> memref<8192x1024xf32, #tpu.memory_space<hbm>>
    tpu.enqueue_indirect_dma source(%dma_start3A_11 : memref<8192x1024xf32, #tpu.memory_space<hbm>>) target(%arg7 : memref<32x1024xf32, #tpu.memory_space<vmem>>) offsets(%dma_start3A_8 : memref<32xi32, #tpu.memory_space<vmem>>) semaphore(%arg10 : memref<!tpu.dma_semaphore, #tpu.memory_space<semaphore_mem>>)
    %dma_wait3A = arith.constant 0 : i32
    %dma_wait3A_12 = tpu.memref_slice %arg5[%dma_wait3A] : memref<128xi32, #tpu.memory_space<vmem>> -> memref<32xi32, #tpu.memory_space<vmem>>
    %dma_wait3A_13 = arith.constant 0 : i32
    %dma_wait3A_14 = arith.constant 0 : i32
    %dma_wait3A_15 = tpu.memref_slice %arg2[%dma_wait3A_13, %dma_wait3A_14] : memref<8192x1024xf32, #tpu.memory_space<hbm>> -> memref<8192x1024xf32, #tpu.memory_space<hbm>>
    tpu.wait_indirect_dma semaphore(%arg9 : memref<!tpu.dma_semaphore, #tpu.memory_space<semaphore_mem>>) src(%dma_wait3A_15 : memref<8192x1024xf32, #tpu.memory_space<hbm>>) dst(%arg6 : memref<32x1024xf32, #tpu.memory_space<vmem>>)
    %add3A_16 = arith.constant 0 : i32
    %add3A_17 = arith.addi %mul3A_2, %add3A_16 : i32
    %dma_start3A_18 = arith.constant 0 : i32
    %dma_start3A_19 = tpu.memref_slice %arg4[%add3A_17, %dma_start3A_18] : memref<4096x1024xf32, #tpu.memory_space<hbm>> -> memref<32x1024xf32, #tpu.memory_space<hbm>>
    %dma_start3A_20 = arith.constant 0 : i32
    %dma_start3A_21 = tpu.memref_slice %arg4[%add3A_17, %dma_start3A_20] : memref<4096x1024xf32, #tpu.memory_space<hbm>> -> memref<32x1024xf32, #tpu.memory_space<hbm>>
    tpu.enqueue_dma source(%arg6 : memref<32x1024xf32, #tpu.memory_space<vmem>>) target(%dma_start3A_21 : memref<32x1024xf32, #tpu.memory_space<hbm>>) target_semaphore(%arg12 : memref<!tpu.dma_semaphore, #tpu.memory_space<semaphore_mem>>)
    %dma_start3A_22 = arith.constant 64 : i32
    %dma_start3A_23 = tpu.memref_slice %arg5[%dma_start3A_22] : memref<128xi32, #tpu.memory_space<vmem>> -> memref<32xi32, #tpu.memory_space<vmem>>
    %dma_start3A_24 = arith.constant 0 : i32
    %dma_start3A_25 = arith.constant 0 : i32
    %dma_start3A_26 = tpu.memref_slice %arg2[%dma_start3A_24, %dma_start3A_25] : memref<8192x1024xf32, #tpu.memory_space<hbm>> -> memref<8192x1024xf32, #tpu.memory_space<hbm>>
    tpu.enqueue_indirect_dma source(%dma_start3A_26 : memref<8192x1024xf32, #tpu.memory_space<hbm>>) target(%arg8 : memref<32x1024xf32, #tpu.memory_space<vmem>>) offsets(%dma_start3A_23 : memref<32xi32, #tpu.memory_space<vmem>>) semaphore(%arg11 : memref<!tpu.dma_semaphore, #tpu.memory_space<semaphore_mem>>)
    %dma_wait3A_27 = arith.constant 0 : i32
    %dma_wait3A_28 = tpu.memref_slice %arg5[%dma_wait3A_27] : memref<128xi32, #tpu.memory_space<vmem>> -> memref<32xi32, #tpu.memory_space<vmem>>
    %dma_wait3A_29 = arith.constant 0 : i32
    %dma_wait3A_30 = arith.constant 0 : i32
    %dma_wait3A_31 = tpu.memref_slice %arg2[%dma_wait3A_29, %dma_wait3A_30] : memref<8192x1024xf32, #tpu.memory_space<hbm>> -> memref<8192x1024xf32, #tpu.memory_space<hbm>>
    tpu.wait_indirect_dma semaphore(%arg10 : memref<!tpu.dma_semaphore, #tpu.memory_space<semaphore_mem>>) src(%dma_wait3A_31 : memref<8192x1024xf32, #tpu.memory_space<hbm>>) dst(%arg7 : memref<32x1024xf32, #tpu.memory_space<vmem>>)
    %add3A_32 = arith.constant 32 : i32
    %add3A_33 = arith.addi %mul3A_2, %add3A_32 : i32
    %dma_start3A_34 = arith.constant 0 : i32
    %dma_start3A_35 = tpu.memref_slice %arg4[%add3A_33, %dma_start3A_34] : memref<4096x1024xf32, #tpu.memory_space<hbm>> -> memref<32x1024xf32, #tpu.memory_space<hbm>>
    %dma_start3A_36 = arith.constant 0 : i32
    %dma_start3A_37 = tpu.memref_slice %arg4[%add3A_33, %dma_start3A_36] : memref<4096x1024xf32, #tpu.memory_space<hbm>> -> memref<32x1024xf32, #tpu.memory_space<hbm>>
    tpu.enqueue_dma source(%arg7 : memref<32x1024xf32, #tpu.memory_space<vmem>>) target(%dma_start3A_37 : memref<32x1024xf32, #tpu.memory_space<hbm>>) target_semaphore(%arg13 : memref<!tpu.dma_semaphore, #tpu.memory_space<semaphore_mem>>)
    %dma_wait3A_38 = arith.constant 0 : i32
    %dma_wait3A_39 = tpu.memref_slice %arg4[%mul3A_2, %dma_wait3A_38] : memref<4096x1024xf32, #tpu.memory_space<hbm>> -> memref<32x1024xf32, #tpu.memory_space<hbm>>
    %dma_wait3A_40 = arith.constant 0 : i32
    %dma_wait3A_41 = tpu.memref_slice %arg4[%mul3A_2, %dma_wait3A_40] : memref<4096x1024xf32, #tpu.memory_space<hbm>> -> memref<32x1024xf32, #tpu.memory_space<hbm>>
    tpu.wait_dma2 semaphore(%arg12 : memref<!tpu.dma_semaphore, #tpu.memory_space<semaphore_mem>>) src(%arg6 : memref<32x1024xf32, #tpu.memory_space<vmem>>) dst(%dma_wait3A_41 : memref<32x1024xf32, #tpu.memory_space<hbm>>)
    %dma_start3A_42 = arith.constant 96 : i32
    %dma_start3A_43 = tpu.memref_slice %arg5[%dma_start3A_42] : memref<128xi32, #tpu.memory_space<vmem>> -> memref<32xi32, #tpu.memory_space<vmem>>
    %dma_start3A_44 = arith.constant 0 : i32
    %dma_start3A_45 = arith.constant 0 : i32
    %dma_start3A_46 = tpu.memref_slice %arg2[%dma_start3A_44, %dma_start3A_45] : memref<8192x1024xf32, #tpu.memory_space<hbm>> -> memref<8192x1024xf32, #tpu.memory_space<hbm>>
    tpu.enqueue_indirect_dma source(%dma_start3A_46 : memref<8192x1024xf32, #tpu.memory_space<hbm>>) target(%arg6 : memref<32x1024xf32, #tpu.memory_space<vmem>>) offsets(%dma_start3A_43 : memref<32xi32, #tpu.memory_space<vmem>>) semaphore(%arg9 : memref<!tpu.dma_semaphore, #tpu.memory_space<semaphore_mem>>)
    %dma_wait3A_47 = arith.constant 0 : i32
    %dma_wait3A_48 = tpu.memref_slice %arg5[%dma_wait3A_47] : memref<128xi32, #tpu.memory_space<vmem>> -> memref<32xi32, #tpu.memory_space<vmem>>
    %dma_wait3A_49 = arith.constant 0 : i32
    %dma_wait3A_50 = arith.constant 0 : i32
    %dma_wait3A_51 = tpu.memref_slice %arg2[%dma_wait3A_49, %dma_wait3A_50] : memref<8192x1024xf32, #tpu.memory_space<hbm>> -> memref<8192x1024xf32, #tpu.memory_space<hbm>>
    tpu.wait_indirect_dma semaphore(%arg11 : memref<!tpu.dma_semaphore, #tpu.memory_space<semaphore_mem>>) src(%dma_wait3A_51 : memref<8192x1024xf32, #tpu.memory_space<hbm>>) dst(%arg8 : memref<32x1024xf32, #tpu.memory_space<vmem>>)
    %add3A_52 = arith.constant 64 : i32
    %add3A_53 = arith.addi %mul3A_2, %add3A_52 : i32
    %dma_start3A_54 = arith.constant 0 : i32
    %dma_start3A_55 = tpu.memref_slice %arg4[%add3A_53, %dma_start3A_54] : memref<4096x1024xf32, #tpu.memory_space<hbm>> -> memref<32x1024xf32, #tpu.memory_space<hbm>>
    %dma_start3A_56 = arith.constant 0 : i32
    %dma_start3A_57 = tpu.memref_slice %arg4[%add3A_53, %dma_start3A_56] : memref<4096x1024xf32, #tpu.memory_space<hbm>> -> memref<32x1024xf32, #tpu.memory_space<hbm>>
    tpu.enqueue_dma source(%arg8 : memref<32x1024xf32, #tpu.memory_space<vmem>>) target(%dma_start3A_57 : memref<32x1024xf32, #tpu.memory_space<hbm>>) target_semaphore(%arg14 : memref<!tpu.dma_semaphore, #tpu.memory_space<semaphore_mem>>)
    %dma_wait3A_58 = arith.constant 0 : i32
    %dma_wait3A_59 = tpu.memref_slice %arg5[%dma_wait3A_58] : memref<128xi32, #tpu.memory_space<vmem>> -> memref<32xi32, #tpu.memory_space<vmem>>
    %dma_wait3A_60 = arith.constant 0 : i32
    %dma_wait3A_61 = arith.constant 0 : i32
    %dma_wait3A_62 = tpu.memref_slice %arg2[%dma_wait3A_60, %dma_wait3A_61] : memref<8192x1024xf32, #tpu.memory_space<hbm>> -> memref<8192x1024xf32, #tpu.memory_space<hbm>>
    tpu.wait_indirect_dma semaphore(%arg9 : memref<!tpu.dma_semaphore, #tpu.memory_space<semaphore_mem>>) src(%dma_wait3A_62 : memref<8192x1024xf32, #tpu.memory_space<hbm>>) dst(%arg6 : memref<32x1024xf32, #tpu.memory_space<vmem>>)
    %add3A_63 = arith.constant 96 : i32
    %add3A_64 = arith.addi %mul3A_2, %add3A_63 : i32
    %dma_start3A_65 = arith.constant 0 : i32
    %dma_start3A_66 = tpu.memref_slice %arg4[%add3A_64, %dma_start3A_65] : memref<4096x1024xf32, #tpu.memory_space<hbm>> -> memref<32x1024xf32, #tpu.memory_space<hbm>>
    %dma_start3A_67 = arith.constant 0 : i32
    %dma_start3A_68 = tpu.memref_slice %arg4[%add3A_64, %dma_start3A_67] : memref<4096x1024xf32, #tpu.memory_space<hbm>> -> memref<32x1024xf32, #tpu.memory_space<hbm>>
    tpu.enqueue_dma source(%arg6 : memref<32x1024xf32, #tpu.memory_space<vmem>>) target(%dma_start3A_68 : memref<32x1024xf32, #tpu.memory_space<hbm>>) target_semaphore(%arg12 : memref<!tpu.dma_semaphore, #tpu.memory_space<semaphore_mem>>)
    %dma_wait3A_69 = arith.constant 0 : i32
    %dma_wait3A_70 = tpu.memref_slice %arg4[%mul3A_2, %dma_wait3A_69] : memref<4096x1024xf32, #tpu.memory_space<hbm>> -> memref<32x1024xf32, #tpu.memory_space<hbm>>
    %dma_wait3A_71 = arith.constant 0 : i32
    %dma_wait3A_72 = tpu.memref_slice %arg4[%mul3A_2, %dma_wait3A_71] : memref<4096x1024xf32, #tpu.memory_space<hbm>> -> memref<32x1024xf32, #tpu.memory_space<hbm>>
    tpu.wait_dma2 semaphore(%arg13 : memref<!tpu.dma_semaphore, #tpu.memory_space<semaphore_mem>>) src(%arg7 : memref<32x1024xf32, #tpu.memory_space<vmem>>) dst(%dma_wait3A_72 : memref<32x1024xf32, #tpu.memory_space<hbm>>)
    %dma_wait3A_73 = arith.constant 0 : i32
    %dma_wait3A_74 = tpu.memref_slice %arg4[%mul3A_2, %dma_wait3A_73] : memref<4096x1024xf32, #tpu.memory_space<hbm>> -> memref<32x1024xf32, #tpu.memory_space<hbm>>
    %dma_wait3A_75 = arith.constant 0 : i32
    %dma_wait3A_76 = tpu.memref_slice %arg4[%mul3A_2, %dma_wait3A_75] : memref<4096x1024xf32, #tpu.memory_space<hbm>> -> memref<32x1024xf32, #tpu.memory_space<hbm>>
    tpu.wait_dma2 semaphore(%arg14 : memref<!tpu.dma_semaphore, #tpu.memory_space<semaphore_mem>>) src(%arg8 : memref<32x1024xf32, #tpu.memory_space<vmem>>) dst(%dma_wait3A_76 : memref<32x1024xf32, #tpu.memory_space<hbm>>)
    %dma_wait3A_77 = arith.constant 0 : i32
    %dma_wait3A_78 = tpu.memref_slice %arg4[%mul3A_2, %dma_wait3A_77] : memref<4096x1024xf32, #tpu.memory_space<hbm>> -> memref<32x1024xf32, #tpu.memory_space<hbm>>
    %dma_wait3A_79 = arith.constant 0 : i32
    %dma_wait3A_80 = tpu.memref_slice %arg4[%mul3A_2, %dma_wait3A_79] : memref<4096x1024xf32, #tpu.memory_space<hbm>> -> memref<32x1024xf32, #tpu.memory_space<hbm>>
    tpu.wait_dma2 semaphore(%arg12 : memref<!tpu.dma_semaphore, #tpu.memory_space<semaphore_mem>>) src(%arg6 : memref<32x1024xf32, #tpu.memory_space<vmem>>) dst(%dma_wait3A_80 : memref<32x1024xf32, #tpu.memory_space<hbm>>)
    return
  }
}

#map = affine_map<(d0, d1) -> (0, 0)>
#map1 = affine_map<(d0, d1) -> (0)>
module attributes {stable_mosaic.version = 14 : i64} {
  func.func @gather_kernel(%arg0: i32, %arg1: i32, %arg2: memref<8192x1024xf32, #tpu.memory_space<hbm>>, %arg3: memref<4096xi32, #tpu.memory_space<hbm>>, %arg4: memref<4096x1024xf32, #tpu.memory_space<hbm>>, %arg5: memref<128xi32, #tpu.memory_space<vmem>>, %arg6: memref<32x1024xf32, #tpu.memory_space<vmem>>, %arg7: memref<32x1024xf32, #tpu.memory_space<vmem>>, %arg8: memref<32x1024xf32, #tpu.memory_space<vmem>>, %arg9: memref<!tpu.dma_semaphore, #tpu.memory_space<semaphore_mem>>, %arg10: memref<!tpu.dma_semaphore, #tpu.memory_space<semaphore_mem>>, %arg11: memref<!tpu.dma_semaphore, #tpu.memory_space<semaphore_mem>>, %arg12: memref<!tpu.dma_semaphore, #tpu.memory_space<semaphore_mem>>, %arg13: memref<!tpu.dma_semaphore, #tpu.memory_space<semaphore_mem>>, %arg14: memref<!tpu.dma_semaphore, #tpu.memory_space<semaphore_mem>>) attributes {dimension_semantics = [#tpu.dimension_semantics<core_parallel>, #tpu.dimension_semantics<subcore_parallel>], iteration_bounds = array<i64: 2, 16>, scalar_prefetch = 0 : i64, scratch_operands = 10 : i64, tpu.core_type = #tpu.core_type<sc_vector_subcore>, window_params = [{transform_indices = #map}, {transform_indices = #map1}, {transform_indices = #map}]} {
    %mul3A = arith.constant 2 : i32
    %mul3A_0 = arith.muli %arg1, %mul3A : i32
    %add3A = arith.addi %mul3A_0, %arg0 : i32
    %mul3A_1 = arith.constant 128 : i32
    %mul3A_2 = arith.muli %add3A, %mul3A_1 : i32
    "tpu.region"() ({
      %run_scoped3A = tpu.sem_alloc : memref<!tpu.dma_semaphore, #tpu.memory_space<semaphore_mem>>
      %dma_start3A_81 = tpu.memref_slice %arg3[%mul3A_2] : memref<4096xi32, #tpu.memory_space<hbm>> -> memref<128xi32, #tpu.memory_space<hbm>>
      %dma_start3A_82 = tpu.memref_slice %arg3[%mul3A_2] : memref<4096xi32, #tpu.memory_space<hbm>> -> memref<128xi32, #tpu.memory_space<hbm>>
      tpu.enqueue_dma source(%dma_start3A_82 : memref<128xi32, #tpu.memory_space<hbm>>) target(%arg5 : memref<128xi32, #tpu.memory_space<vmem>>) target_semaphore(%run_scoped3A : memref<!tpu.dma_semaphore, #tpu.memory_space<semaphore_mem>>)
      %dma_wait3A_83 = tpu.memref_slice %arg3[%mul3A_2] : memref<4096xi32, #tpu.memory_space<hbm>> -> memref<128xi32, #tpu.memory_space<hbm>>
      %dma_wait3A_84 = tpu.memref_slice %arg3[%mul3A_2] : memref<4096xi32, #tpu.memory_space<hbm>> -> memref<128xi32, #tpu.memory_space<hbm>>
      tpu.wait_dma2 semaphore(%run_scoped3A : memref<!tpu.dma_semaphore, #tpu.memory_space<semaphore_mem>>) src(%dma_wait3A_84 : memref<128xi32, #tpu.memory_space<hbm>>) dst(%arg5 : memref<128xi32, #tpu.memory_space<vmem>>)
      tpu.yield
    }) : () -> ()
    %dma_start3A = arith.constant 0 : i32
    %dma_start3A_3 = tpu.memref_slice %arg5[%dma_start3A] : memref<128xi32, #tpu.memory_space<vmem>> -> memref<32xi32, #tpu.memory_space<vmem>>
    %dma_start3A_4 = arith.constant 0 : i32
    %dma_start3A_5 = arith.constant 0 : i32
    %dma_start3A_6 = tpu.memref_slice %arg2[%dma_start3A_4, %dma_start3A_5] : memref<8192x1024xf32, #tpu.memory_space<hbm>> -> memref<8192x1024xf32, #tpu.memory_space<hbm>>
    tpu.enqueue_indirect_dma source(%dma_start3A_6 : memref<8192x1024xf32, #tpu.memory_space<hbm>>) target(%arg6 : memref<32x1024xf32, #tpu.memory_space<vmem>>) offsets(%dma_start3A_3 : memref<32xi32, #tpu.memory_space<vmem>>) semaphore(%arg9 : memref<!tpu.dma_semaphore, #tpu.memory_space<semaphore_mem>>)
    %dma_start3A_7 = arith.constant 32 : i32
    %dma_start3A_8 = tpu.memref_slice %arg5[%dma_start3A_7] : memref<128xi32, #tpu.memory_space<vmem>> -> memref<32xi32, #tpu.memory_space<vmem>>
    %dma_start3A_9 = arith.constant 0 : i32
    %dma_start3A_10 = arith.constant 0 : i32
    %dma_start3A_11 = tpu.memref_slice %arg2[%dma_start3A_9, %dma_start3A_10] : memref<8192x1024xf32, #tpu.memory_space<hbm>> -> memref<8192x1024xf32, #tpu.memory_space<hbm>>
    tpu.enqueue_indirect_dma source(%dma_start3A_11 : memref<8192x1024xf32, #tpu.memory_space<hbm>>) target(%arg7 : memref<32x1024xf32, #tpu.memory_space<vmem>>) offsets(%dma_start3A_8 : memref<32xi32, #tpu.memory_space<vmem>>) semaphore(%arg10 : memref<!tpu.dma_semaphore, #tpu.memory_space<semaphore_mem>>)
    %dma_wait3A = arith.constant 0 : i32
    %dma_wait3A_12 = tpu.memref_slice %arg5[%dma_wait3A] : memref<128xi32, #tpu.memory_space<vmem>> -> memref<32xi32, #tpu.memory_space<vmem>>
    %dma_wait3A_13 = arith.constant 0 : i32
    %dma_wait3A_14 = arith.constant 0 : i32
    %dma_wait3A_15 = tpu.memref_slice %arg2[%dma_wait3A_13, %dma_wait3A_14] : memref<8192x1024xf32, #tpu.memory_space<hbm>> -> memref<8192x1024xf32, #tpu.memory_space<hbm>>
    tpu.wait_indirect_dma semaphore(%arg9 : memref<!tpu.dma_semaphore, #tpu.memory_space<semaphore_mem>>) src(%dma_wait3A_15 : memref<8192x1024xf32, #tpu.memory_space<hbm>>) dst(%arg6 : memref<32x1024xf32, #tpu.memory_space<vmem>>)
    %add3A_16 = arith.constant 0 : i32
    %add3A_17 = arith.addi %mul3A_2, %add3A_16 : i32
    %dma_start3A_18 = arith.constant 0 : i32
    %dma_start3A_19 = tpu.memref_slice %arg4[%add3A_17, %dma_start3A_18] : memref<4096x1024xf32, #tpu.memory_space<hbm>> -> memref<32x1024xf32, #tpu.memory_space<hbm>>
    %dma_start3A_20 = arith.constant 0 : i32
    %dma_start3A_21 = tpu.memref_slice %arg4[%add3A_17, %dma_start3A_20] : memref<4096x1024xf32, #tpu.memory_space<hbm>> -> memref<32x1024xf32, #tpu.memory_space<hbm>>
    tpu.enqueue_dma source(%arg6 : memref<32x1024xf32, #tpu.memory_space<vmem>>) target(%dma_start3A_21 : memref<32x1024xf32, #tpu.memory_space<hbm>>) target_semaphore(%arg12 : memref<!tpu.dma_semaphore, #tpu.memory_space<semaphore_mem>>)
    %dma_start3A_22 = arith.constant 64 : i32
    %dma_start3A_23 = tpu.memref_slice %arg5[%dma_start3A_22] : memref<128xi32, #tpu.memory_space<vmem>> -> memref<32xi32, #tpu.memory_space<vmem>>
    %dma_start3A_24 = arith.constant 0 : i32
    %dma_start3A_25 = arith.constant 0 : i32
    %dma_start3A_26 = tpu.memref_slice %arg2[%dma_start3A_24, %dma_start3A_25] : memref<8192x1024xf32, #tpu.memory_space<hbm>> -> memref<8192x1024xf32, #tpu.memory_space<hbm>>
    tpu.enqueue_indirect_dma source(%dma_start3A_26 : memref<8192x1024xf32, #tpu.memory_space<hbm>>) target(%arg8 : memref<32x1024xf32, #tpu.memory_space<vmem>>) offsets(%dma_start3A_23 : memref<32xi32, #tpu.memory_space<vmem>>) semaphore(%arg11 : memref<!tpu.dma_semaphore, #tpu.memory_space<semaphore_mem>>)
    %dma_wait3A_27 = arith.constant 0 : i32
    %dma_wait3A_28 = tpu.memref_slice %arg5[%dma_wait3A_27] : memref<128xi32, #tpu.memory_space<vmem>> -> memref<32xi32, #tpu.memory_space<vmem>>
    %dma_wait3A_29 = arith.constant 0 : i32
    %dma_wait3A_30 = arith.constant 0 : i32
    %dma_wait3A_31 = tpu.memref_slice %arg2[%dma_wait3A_29, %dma_wait3A_30] : memref<8192x1024xf32, #tpu.memory_space<hbm>> -> memref<8192x1024xf32, #tpu.memory_space<hbm>>
    tpu.wait_indirect_dma semaphore(%arg10 : memref<!tpu.dma_semaphore, #tpu.memory_space<semaphore_mem>>) src(%dma_wait3A_31 : memref<8192x1024xf32, #tpu.memory_space<hbm>>) dst(%arg7 : memref<32x1024xf32, #tpu.memory_space<vmem>>)
    %add3A_32 = arith.constant 32 : i32
    %add3A_33 = arith.addi %mul3A_2, %add3A_32 : i32
    %dma_start3A_34 = arith.constant 0 : i32
    %dma_start3A_35 = tpu.memref_slice %arg4[%add3A_33, %dma_start3A_34] : memref<4096x1024xf32, #tpu.memory_space<hbm>> -> memref<32x1024xf32, #tpu.memory_space<hbm>>
    %dma_start3A_36 = arith.constant 0 : i32
    %dma_start3A_37 = tpu.memref_slice %arg4[%add3A_33, %dma_start3A_36] : memref<4096x1024xf32, #tpu.memory_space<hbm>> -> memref<32x1024xf32, #tpu.memory_space<hbm>>
    tpu.enqueue_dma source(%arg7 : memref<32x1024xf32, #tpu.memory_space<vmem>>) target(%dma_start3A_37 : memref<32x1024xf32, #tpu.memory_space<hbm>>) target_semaphore(%arg13 : memref<!tpu.dma_semaphore, #tpu.memory_space<semaphore_mem>>)
    %dma_wait3A_38 = arith.constant 0 : i32
    %dma_wait3A_39 = tpu.memref_slice %arg4[%mul3A_2, %dma_wait3A_38] : memref<4096x1024xf32, #tpu.memory_space<hbm>> -> memref<32x1024xf32, #tpu.memory_space<hbm>>
    %dma_wait3A_40 = arith.constant 0 : i32
    %dma_wait3A_41 = tpu.memref_slice %arg4[%mul3A_2, %dma_wait3A_40] : memref<4096x1024xf32, #tpu.memory_space<hbm>> -> memref<32x1024xf32, #tpu.memory_space<hbm>>
    tpu.wait_dma2 semaphore(%arg12 : memref<!tpu.dma_semaphore, #tpu.memory_space<semaphore_mem>>) src(%arg6 : memref<32x1024xf32, #tpu.memory_space<vmem>>) dst(%dma_wait3A_41 : memref<32x1024xf32, #tpu.memory_space<hbm>>)
    %dma_start3A_42 = arith.constant 96 : i32
    %dma_start3A_43 = tpu.memref_slice %arg5[%dma_start3A_42] : memref<128xi32, #tpu.memory_space<vmem>> -> memref<32xi32, #tpu.memory_space<vmem>>
    %dma_start3A_44 = arith.constant 0 : i32
    %dma_start3A_45 = arith.constant 0 : i32
    %dma_start3A_46 = tpu.memref_slice %arg2[%dma_start3A_44, %dma_start3A_45] : memref<8192x1024xf32, #tpu.memory_space<hbm>> -> memref<8192x1024xf32, #tpu.memory_space<hbm>>
    tpu.enqueue_indirect_dma source(%dma_start3A_46 : memref<8192x1024xf32, #tpu.memory_space<hbm>>) target(%arg6 : memref<32x1024xf32, #tpu.memory_space<vmem>>) offsets(%dma_start3A_43 : memref<32xi32, #tpu.memory_space<vmem>>) semaphore(%arg9 : memref<!tpu.dma_semaphore, #tpu.memory_space<semaphore_mem>>)
    %dma_wait3A_47 = arith.constant 0 : i32
    %dma_wait3A_48 = tpu.memref_slice %arg5[%dma_wait3A_47] : memref<128xi32, #tpu.memory_space<vmem>> -> memref<32xi32, #tpu.memory_space<vmem>>
    %dma_wait3A_49 = arith.constant 0 : i32
    %dma_wait3A_50 = arith.constant 0 : i32
    %dma_wait3A_51 = tpu.memref_slice %arg2[%dma_wait3A_49, %dma_wait3A_50] : memref<8192x1024xf32, #tpu.memory_space<hbm>> -> memref<8192x1024xf32, #tpu.memory_space<hbm>>
    tpu.wait_indirect_dma semaphore(%arg11 : memref<!tpu.dma_semaphore, #tpu.memory_space<semaphore_mem>>) src(%dma_wait3A_51 : memref<8192x1024xf32, #tpu.memory_space<hbm>>) dst(%arg8 : memref<32x1024xf32, #tpu.memory_space<vmem>>)
    %add3A_52 = arith.constant 64 : i32
    %add3A_53 = arith.addi %mul3A_2, %add3A_52 : i32
    %dma_start3A_54 = arith.constant 0 : i32
    %dma_start3A_55 = tpu.memref_slice %arg4[%add3A_53, %dma_start3A_54] : memref<4096x1024xf32, #tpu.memory_space<hbm>> -> memref<32x1024xf32, #tpu.memory_space<hbm>>
    %dma_start3A_56 = arith.constant 0 : i32
    %dma_start3A_57 = tpu.memref_slice %arg4[%add3A_53, %dma_start3A_56] : memref<4096x1024xf32, #tpu.memory_space<hbm>> -> memref<32x1024xf32, #tpu.memory_space<hbm>>
    tpu.enqueue_dma source(%arg8 : memref<32x1024xf32, #tpu.memory_space<vmem>>) target(%dma_start3A_57 : memref<32x1024xf32, #tpu.memory_space<hbm>>) target_semaphore(%arg14 : memref<!tpu.dma_semaphore, #tpu.memory_space<semaphore_mem>>)
    %dma_wait3A_58 = arith.constant 0 : i32
    %dma_wait3A_59 = tpu.memref_slice %arg5[%dma_wait3A_58] : memref<128xi32, #tpu.memory_space<vmem>> -> memref<32xi32, #tpu.memory_space<vmem>>
    %dma_wait3A_60 = arith.constant 0 : i32
    %dma_wait3A_61 = arith.constant 0 : i32
    %dma_wait3A_62 = tpu.memref_slice %arg2[%dma_wait3A_60, %dma_wait3A_61] : memref<8192x1024xf32, #tpu.memory_space<hbm>> -> memref<8192x1024xf32, #tpu.memory_space<hbm>>
    tpu.wait_indirect_dma semaphore(%arg9 : memref<!tpu.dma_semaphore, #tpu.memory_space<semaphore_mem>>) src(%dma_wait3A_62 : memref<8192x1024xf32, #tpu.memory_space<hbm>>) dst(%arg6 : memref<32x1024xf32, #tpu.memory_space<vmem>>)
    %add3A_63 = arith.constant 96 : i32
    %add3A_64 = arith.addi %mul3A_2, %add3A_63 : i32
    %dma_start3A_65 = arith.constant 0 : i32
    %dma_start3A_66 = tpu.memref_slice %arg4[%add3A_64, %dma_start3A_65] : memref<4096x1024xf32, #tpu.memory_space<hbm>> -> memref<32x1024xf32, #tpu.memory_space<hbm>>
    %dma_start3A_67 = arith.constant 0 : i32
    %dma_start3A_68 = tpu.memref_slice %arg4[%add3A_64, %dma_start3A_67] : memref<4096x1024xf32, #tpu.memory_space<hbm>> -> memref<32x1024xf32, #tpu.memory_space<hbm>>
    tpu.enqueue_dma source(%arg6 : memref<32x1024xf32, #tpu.memory_space<vmem>>) target(%dma_start3A_68 : memref<32x1024xf32, #tpu.memory_space<hbm>>) target_semaphore(%arg12 : memref<!tpu.dma_semaphore, #tpu.memory_space<semaphore_mem>>)
    %dma_wait3A_69 = arith.constant 0 : i32
    %dma_wait3A_70 = tpu.memref_slice %arg4[%mul3A_2, %dma_wait3A_69] : memref<4096x1024xf32, #tpu.memory_space<hbm>> -> memref<32x1024xf32, #tpu.memory_space<hbm>>
    %dma_wait3A_71 = arith.constant 0 : i32
    %dma_wait3A_72 = tpu.memref_slice %arg4[%mul3A_2, %dma_wait3A_71] : memref<4096x1024xf32, #tpu.memory_space<hbm>> -> memref<32x1024xf32, #tpu.memory_space<hbm>>
    tpu.wait_dma2 semaphore(%arg13 : memref<!tpu.dma_semaphore, #tpu.memory_space<semaphore_mem>>) src(%arg7 : memref<32x1024xf32, #tpu.memory_space<vmem>>) dst(%dma_wait3A_72 : memref<32x1024xf32, #tpu.memory_space<hbm>>)
    %dma_wait3A_73 = arith.constant 0 : i32
    %dma_wait3A_74 = tpu.memref_slice %arg4[%mul3A_2, %dma_wait3A_73] : memref<4096x1024xf32, #tpu.memory_space<hbm>> -> memref<32x1024xf32, #tpu.memory_space<hbm>>
    %dma_wait3A_75 = arith.constant 0 : i32
    %dma_wait3A_76 = tpu.memref_slice %arg4[%mul3A_2, %dma_wait3A_75] : memref<4096x1024xf32, #tpu.memory_space<hbm>> -> memref<32x1024xf32, #tpu.memory_space<hbm>>
    tpu.wait_dma2 semaphore(%arg14 : memref<!tpu.dma_semaphore, #tpu.memory_space<semaphore_mem>>) src(%arg8 : memref<32x1024xf32, #tpu.memory_space<vmem>>) dst(%dma_wait3A_76 : memref<32x1024xf32, #tpu.memory_space<hbm>>)
    %dma_wait3A_77 = arith.constant 0 : i32
    %dma_wait3A_78 = tpu.memref_slice %arg4[%mul3A_2, %dma_wait3A_77] : memref<4096x1024xf32, #tpu.memory_space<hbm>> -> memref<32x1024xf32, #tpu.memory_space<hbm>>
    %dma_wait3A_79 = arith.constant 0 : i32
    %dma_wait3A_80 = tpu.memref_slice %arg4[%mul3A_2, %dma_wait3A_79] : memref<4096x1024xf32, #tpu.memory_space<hbm>> -> memref<32x1024xf32, #tpu.memory_space<hbm>>
    tpu.wait_dma2 semaphore(%arg12 : memref<!tpu.dma_semaphore, #tpu.memory_space<semaphore_mem>>) src(%arg6 : memref<32x1024xf32, #tpu.memory_space<vmem>>) dst(%dma_wait3A_80 : memref<32x1024xf32, #tpu.memory_space<hbm>>)
    return
  }
}

module attributes {stable_mosaic.version = 14 : i64} {
  func.func @add_body(%arg0: i32, %arg1: i32, %arg2: memref<1x2048x1024xf32, #tpu.memory_space<vmem>>, %arg3: memref<2048x1024xf32, #tpu.memory_space<vmem>>, %arg4: memref<1x2048x1024xf32, #tpu.memory_space<vmem>>) attributes {dimension_semantics = [#tpu.dimension_semantics<arbitrary>, #tpu.dimension_semantics<arbitrary>], iteration_bounds = array<i64: 2, 4>, scalar_prefetch = 0 : i64, scratch_operands = 0 : i64, tpu.core_type = #tpu.core_type<tc>, window_params = [{transform_indices = @transform_0, window_bounds = array<i64: 1, 2048, 1024>}, {transform_indices = @transform_1, window_bounds = array<i64: 2048, 1024>}, {transform_indices = @transform_2, window_bounds = array<i64: 1, 2048, 1024>}]} {
    %get3A = arith.constant 0 : index
    %get3A_0 = arith.constant 0 : index
    %get3A_1 = arith.constant 0 : index
    %get3A_2 = vector.load %arg2[%get3A, %get3A_0, %get3A_1] : memref<1x2048x1024xf32, #tpu.memory_space<vmem>>, vector<1x2048x1024xf32>
    %get3A_3 = arith.constant 0 : index
    %get3A_4 = arith.constant 0 : index
    %get3A_5 = vector.load %arg3[%get3A_3, %get3A_4] : memref<2048x1024xf32, #tpu.memory_space<vmem>>, vector<2048x1024xf32>
    %broadcast_in_dim3A = vector.shape_cast %get3A_5 : vector<2048x1024xf32> to vector<1x2048x1024xf32>
    %add3A = arith.addf %get3A_2, %broadcast_in_dim3A : vector<1x2048x1024xf32>
    %swap3A = arith.constant 0 : index
    %swap3A_6 = arith.constant 0 : index
    %swap3A_7 = arith.constant 0 : index
    %swap3A_8 = vector.load %arg4[%swap3A, %swap3A_6, %swap3A_7] : memref<1x2048x1024xf32, #tpu.memory_space<vmem>>, vector<1x2048x1024xf32>
    tpu.vector_store %arg4[%swap3A, %swap3A_6, %swap3A_7], %add3A {strides = array<i32>} : memref<1x2048x1024xf32, #tpu.memory_space<vmem>>, vector<1x2048x1024xf32>,
    return
  }
  func.func @transform_0(%arg0: i32, %arg1: i32) -> (i32, i32, i32) {
    %add3A = arith.constant 0 : i32
    %add3A_0 = arith.addi %add3A, %arg0 : i32
    %c0_i32 = arith.constant 0 : i32
    %c0_i32_1 = arith.constant 0 : i32
    return %arg1, %add3A_0, %c0_i32 : i32, i32, i32
  }
  func.func @transform_1(%arg0: i32, %arg1: i32) -> (i32, i32) {
    %c0_i32 = arith.constant 0 : i32
    %c0_i32_0 = arith.constant 0 : i32
    return %arg0, %c0_i32 : i32, i32
  }
  func.func @transform_2(%arg0: i32, %arg1: i32) -> (i32, i32, i32) {
    %add3A = arith.constant 0 : i32
    %add3A_0 = arith.addi %add3A, %arg0 : i32
    %c0_i32 = arith.constant 0 : i32
    %c0_i32_1 = arith.constant 0 : i32
    return %arg1, %add3A_0, %c0_i32 : i32, i32, i32
  }
}

module attributes {stable_mosaic.version = 14 : i64} {
  func.func @add_body2(%arg0: i32, %arg1: i32, %arg2: memref<4x8192x1024xf32, #tpu.memory_space<any>>, %arg3: memref<1x2048x1024xf32, #tpu.memory_space<vmem>>, %arg4: memref<2048x1024xf32, #tpu.memory_space<vmem>>, %arg5: memref<1x2048x1024xf32, #tpu.memory_space<vmem>>) attributes {dimension_semantics = [#tpu.dimension_semantics<arbitrary>, #tpu.dimension_semantics<arbitrary>], iteration_bounds = array<i64: 2, 4>, scalar_prefetch = 0 : i64, scratch_operands = 0 : i64, tpu.core_type = #tpu.core_type<tc>, window_params = [{}, {transform_indices = @transform_1, window_bounds = array<i64: 1, 2048, 1024>}, {transform_indices = @transform_2, window_bounds = array<i64: 2048, 1024>}, {transform_indices = @transform_3, window_bounds = array<i64: 1, 2048, 1024>}]} {
    %get3A = arith.constant 0 : index
    %get3A_0 = arith.constant 0 : index
    %get3A_1 = arith.constant 0 : index
    %get3A_2 = vector.load %arg3[%get3A, %get3A_0, %get3A_1] : memref<1x2048x1024xf32, #tpu.memory_space<vmem>>, vector<1x2048x1024xf32>
    %get3A_3 = arith.constant 0 : index
    %get3A_4 = arith.constant 0 : index
    %get3A_5 = vector.load %arg4[%get3A_3, %get3A_4] : memref<2048x1024xf32, #tpu.memory_space<vmem>>, vector<2048x1024xf32>
    %broadcast_in_dim3A = vector.shape_cast %get3A_5 : vector<2048x1024xf32> to vector<1x2048x1024xf32>
    %add3A = arith.addf %get3A_2, %broadcast_in_dim3A : vector<1x2048x1024xf32>
    %swap3A = arith.constant 0 : index
    %swap3A_6 = arith.constant 0 : index
    %swap3A_7 = arith.constant 0 : index
    %swap3A_8 = vector.load %arg5[%swap3A, %swap3A_6, %swap3A_7] : memref<1x2048x1024xf32, #tpu.memory_space<vmem>>, vector<1x2048x1024xf32>
    tpu.vector_store %arg5[%swap3A, %swap3A_6, %swap3A_7], %add3A {strides = array<i32>} : memref<1x2048x1024xf32, #tpu.memory_space<vmem>>, vector<1x2048x1024xf32>,
    return
  }
  func.func @transform_1(%arg0: i32, %arg1: i32) -> (i32, i32, i32) {
    %add3A = arith.constant 2 : i32
    %add3A_0 = arith.addi %add3A, %arg0 : i32
    %c0_i32 = arith.constant 0 : i32
    %c0_i32_1 = arith.constant 0 : i32
    return %arg1, %add3A_0, %c0_i32 : i32, i32, i32
  }
  func.func @transform_2(%arg0: i32, %arg1: i32) -> (i32, i32) {
    %c0_i32 = arith.constant 0 : i32
    %c0_i32_0 = arith.constant 0 : i32
    return %arg0, %c0_i32 : i32, i32
  }
  func.func @transform_3(%arg0: i32, %arg1: i32) -> (i32, i32, i32) {
    %add3A = arith.constant 2 : i32
    %add3A_0 = arith.addi %add3A, %arg0 : i32
    %c0_i32 = arith.constant 0 : i32
    %c0_i32_1 = arith.constant 0 : i32
    return %arg1, %add3A_0, %c0_i32 : i32, i32, i32
  }
}

</mosaic_0001>

<sc_bundles>
// kernel: kernel.6.cloned.1.call-start
scs
__scs_entry_jumppad:
0x0: {  	(pc) =	sbr.rel $0x88, $3  }
0x1: {  	(tag) =	ssettag $0x0;
	lr =	simm.s32 $0x1  }
0x2: {  	[smem:$0x3F9E] =	sst lr;
	_ =	strace $0xD0000000  }
0x3: {  	_ = 	snop  }
0x4: {  	_ = 	snop  }
0x5: {  	_ = 	snop  }
0x6: {  	_ = 	snop  }
0x7: {  	_ = 	snop  }
__scs_overlays_trampoline_lowered:
0x8: {  	[smem:$0x3FAD] =	sst s0  }
0x9: {  	[smem:$0x3FAE] =	sst s1  }
0xa: {  	[smem:$0x3FAF] =	sst s2  }
0xb: {  	[smem:$0x3FB0] =	sst s3  }
0xc: {  	[smem:$0x3FB1] =	sst s4  }
0xd: {  	[smem:$0x3FB2] =	sst s5  }
0xe: {  	[smem:$0x3FB3] =	sst s6  }
0xf: {  	[smem:$0x3FB4] =	sst s7  }
0x10: {  	[smem:$0x3FB5] =	sst s8  }
0x11: {  	[smem:$0x3FB6] =	sst s9;
	s0 =	simm.s32 @!p0 $0x0  }
0x12: {  	s1 =	sld [smem:$0x3F9C];
	s0 =	simm.s32 @p0 $0x1  }
0x13: {  	[smem:$0x3FB7] =	sst s0;
	s0 =	simm.s32 @!p1 $0x0  }
0x14: {  	s2 =	sld [smem:$0x3F9B];
	s0 =	simm.s32 @p1 $0x1  }
0x15: {  	[smem:$0x3FB8] =	sst s0;
	s0 =	simm.s32 @!p2 $0x0  }
0x16: {  	s3 =	sld [smem:$0x3FDB];
	s0 =	simm.s32 @p2 $0x1  }
0x17: {  	s4 =	simm.s32 $0x1BF5;
	[smem:$0x3FBA] =	sst s0  }
0x18: {  	s0 =	sld [smem:$0x3F9D];
	_ =	swait.ge [sflag:s4], $0x0  }
0x19: {  	s7 =	sld [smem:$0x3F9E]  }
0x1a: {  	s8 =	sadd.s32 $0xFFFFE003, lr  }
0x1b: {  	s9 =	sadd.s32 $0xFFFFFEF7, lr;
	s5 =	simm.s32 $0xFFFFFFFF;
	p2 =	slt.u32 s8, $0xFFFFF086  }
0x1c: {  	p1 =	slt.u32 s9, $0xF7A;
	s5 =	simm.s32 @!p2 $0x0  }
0x1d: {  	s5 =	simm.s32 @p1 $0x1;
	p0 =	seq.s32 s7, s2  }
0x1e: {  	s7 =	smul.u32 @!p0 $0xF7A, s2;
	p2 =	seq.s32 @!p0 s5, $0x0  }
0x1f: {  	s9 =	smul.u32 $0xF7A, s1;
	s8 =	simm.s32 @!p0 $0x1BF5;
	p2 =	por !p2, p0  }
0x20: {  	[sflag:s8] =	ssyncset.s32 @!p0 $0xFFFFF086;
	s6 =	sadd.s32 @!p0 s3, s7;
	s7 =	simm.s32 @!p0 $0x108  }
0x21: {  	s3 =	sadd.s32 s3, s9;
	s6 =	sadd.s32 @!p0 $0x88, s6;
	s7 =	simm.s32 @p2 $0x1082  }
0x22: {  	[simem:s7], [sflag:s8] =	dma.local @!p0 [hbm:s6], $0xF7A  }
0x23: {  	s9 =	sor.u32 $0xD0000000, s2;
	s6 =	simm.s32 $0x108;
	_ =	swait.ge @!p0 [sflag:s8], $0x0  }
0x24: {  	s3 =	sadd.s32 $0x88, s3;
	s6 =	simm.s32 @!p1 $0x1082;
	[sflag:s4] =	ssyncset.s32 $0xFFFFF086  }
0x25: {  	[simem:s6], [sflag:s4] =	dma.local [hbm:s3], $0xF7A  }
0x26: {  	[smem:$0x3F9E] =	sst s1;
	(tag) =	ssettag s2;
	_ =	strace s9  }
0x27: {  	s1 =	sld [smem:$0x3FAE]  }
0x28: {  	s2 =	sld [smem:$0x3FAF]  }
0x29: {  	s4 =	sld [smem:$0x3FB1]  }
0x2a: {  	p0 =	seq.s32 s5, $0x0;
	s5 =	sld [smem:$0x3FB2]  }
0x2b: {  	s6 =	sld [smem:$0x3FB3]  }
0x2c: {  	s7 =	sld [smem:$0x3FB4]  }
0x2d: {  	s3 =	simm.s32 $0x108;
	s8 =	sld [smem:$0x3FB5]  }
0x2e: {  	s3 =	simm.s32 @!p0 $0x1082;
	s9 =	sld [smem:$0x3FB6]  }
0x2f: {  	lr =	sadd.s32 s0, s3;
	s0 =	sld [smem:$0x3FAD]  }
0x30: {  	s3 =	sld [smem:$0x3FB0]  }
0x31: {  	[smem:$0x3FB9] =	sst s10  }
0x32: {  	s10 =	sld [smem:$0x3FB7];
	_ =	sdelay $0x3  }
0x33: {  	p0 =	seq.s32 s10, $0x1;
	s10 =	sld [smem:$0x3FB9];
	_ =	sdelay $0x3  }
0x34: {  	[smem:$0x3FB9] =	sst s10  }
0x35: {  	s10 =	sld [smem:$0x3FB8];
	_ =	sdelay $0x3  }
0x36: {  	p1 =	seq.s32 s10, $0x1;
	s10 =	sld [smem:$0x3FB9];
	_ =	sdelay $0x3  }
0x37: {  	[smem:$0x3FB9] =	sst s10  }
0x38: {  	s10 =	sld [smem:$0x3FBA]  }
0x39: {  	_ = 	snop;
	(pc) =	sbr.ind lr, $3  }
0x3a: {  	_ = 	snop  }
0x3b: {  	_ = 	snop  }
0x3c: {  	p2 =	seq.s32 s10, $0x1;
	s10 =	sld [smem:$0x3FB9]  }
0x3d: {  	_ =	shalt  }
0x3e: {  	_ =	shalt  }
0x3f: {  	_ =	shalt  }
0x40: {  	_ =	shalt  }
0x41: {  	_ =	shalt  }
0x42: {  	_ =	shalt  }
0x43: {  	_ =	shalt  }
0x44: {  	_ =	shalt  }
0x45: {  	_ =	shalt  }
0x46: {  	_ =	shalt  }
0x47: {  	_ =	shalt  }
0x48: {  	_ =	shalt  }
0x49: {  	_ =	shalt  }
0x4a: {  	_ =	shalt  }
0x4b: {  	_ =	shalt  }
0x4c: {  	_ =	shalt  }
0x4d: {  	_ =	shalt  }
0x4e: {  	_ =	shalt  }
0x4f: {  	_ =	shalt  }
0x50: {  	_ =	shalt  }
0x51: {  	_ =	shalt  }
0x52: {  	_ =	shalt  }
0x53: {  	_ =	shalt  }
0x54: {  	_ =	shalt  }
0x55: {  	_ =	shalt  }
0x56: {  	_ =	shalt  }
0x57: {  	_ =	shalt  }
0x58: {  	_ =	shalt  }
0x59: {  	_ =	shalt  }
0x5a: {  	_ =	shalt  }
0x5b: {  	_ =	shalt  }
0x5c: {  	_ =	shalt  }
0x5d: {  	_ =	shalt  }
0x5e: {  	_ =	shalt  }
0x5f: {  	_ =	shalt  }
0x60: {  	_ =	shalt  }
0x61: {  	_ =	shalt  }
0x62: {  	_ =	shalt  }
0x63: {  	_ =	shalt  }
0x64: {  	_ =	shalt  }
0x65: {  	_ =	shalt  }
0x66: {  	_ =	shalt  }
0x67: {  	_ =	shalt  }
0x68: {  	_ =	shalt  }
0x69: {  	_ =	shalt  }
0x6a: {  	_ =	shalt  }
0x6b: {  	_ =	shalt  }
0x6c: {  	_ =	shalt  }
0x6d: {  	_ =	shalt  }
0x6e: {  	_ =	shalt  }
0x6f: {  	_ =	shalt  }
0x70: {  	_ =	shalt  }
0x71: {  	_ =	shalt  }
0x72: {  	_ =	shalt  }
0x73: {  	_ =	shalt  }
0x74: {  	_ =	shalt  }
0x75: {  	_ =	shalt  }
0x76: {  	_ =	shalt  }
0x77: {  	_ =	shalt  }
0x78: {  	_ =	shalt  }
0x79: {  	_ =	shalt  }
0x7a: {  	_ =	shalt  }
0x7b: {  	_ =	shalt  }
0x7c: {  	_ =	shalt  }
0x7d: {  	_ =	shalt  }
0x7e: {  	_ =	shalt  }
0x7f: {  	_ =	shalt  }
0x80: {  	_ =	shalt  }
0x81: {  	_ =	shalt  }
0x82: {  	_ =	shalt  }
0x83: {  	_ =	shalt  }
0x84: {  	_ =	shalt  }
0x85: {  	_ =	shalt  }
0x86: {  	_ =	shalt  }
0x87: {  	_ =	shalt  }
.Lfunc_end0:
.L_simem_size_0:
called_computation_lowered:
.L_overlay_start_0:
0x88: {  	s2 =	sld [smem:$0x3FD9]  }
0x89: {  	s3 =	sld [smem:$0x3FFE];
	_ =	sdelay $0x1  }
0x8a: {  	s1 =	srdreg.scid  }
0x8b: {  	s0 =	sand.u32 $0x1, s1  }
0x8c: {  	s17 =	sshll.u32 s0, $0xA;
	s2 =	sadd.s32 s3, s2  }
0x8d: {  	s2 =	sadd.s32 s2, s17  }
0x8e: {  	[smem:$0x3FC5] =	sst s2  }
0x8f: {  	_ = 	snop  }
0x90: {  	s2 =	sld [smem:$0x3FC7]  }
0x91: {  	s18 =	sld [smem:$0x3FD0];
	(tm) =	ssettm $0x1  }
0x92: {  	s4 =	sld [smem:$0x3FFB];
	_ =	sdelay $0x3  }
0x93: {  	_ =	strace s4  }
0x94: {  	s4 =	sld [smem:$0x3FFC];
	_ =	sdelay $0x3  }
0x95: {  	_ =	strace s4  }
0x96: {  	s4 =	sld [smem:$0x3FFD];
	_ =	sdelay $0x3  }
0x97: {  	_ =	strace s4  }
0x98: {  	_ =	strace $0x8FFFFFFF  }
0x99: {  	s19 =	sld [smem:$0x3FDB];
	_ =	sdelay $0x1  }
0x9a: {  	s5 =	simm.s32 $_scs_section_size  }
0x9b: {  	s6 =	simm.s32 $_size__tile_overlayer_lowered;
	s7 =	simm.s32 $_tile_overlayer_lowered  }
0x9c: {  	s22 =	simm.s32 $0x1BFF;
	s21 =	sshll.u32 s7, $0x1;
	s4 =	sadd.s32 s5, s19  }
0x9d: {  	s8 =	simm.s32 $0x0;
	s20 =	sshll.u32 s6, $0x1;
	s6 =	sadd.s32 s21, s4  }
0x9e: {  	[timem:s8], [sflag:s22] =	dma.local [hbm:s6], s20  }
0x9f: {  	_ =	swait.ge [sflag:s22], s20  }
0xa0: {  	s5 =	ssub.s32 $0x0, s20;
	[sflag:s22] =	ssyncset.done $0x0  }
0xa1: {  	[sflag:s22] =	ssyncadd.s32 s5;
	_ =	sdelay $0x1  }
0xa2: {  	s23 =	simm.s32 $0x1B8B  }
0xa3: {  	_ =	swait.ge [sflag:s23], $0x1  }
0xa4: {  	[sflag:s23] =	ssyncset.done $0x0  }
0xa5: {  	s25 =	simm.s32 $0x1B8E;
	s24 =	sld [smem:$0x3FFE];
	[sflag:s23] =	ssyncadd.s32 $0xFFFFFFFF  }
0xa6: {  	s26 =	simm.s32 $execute0_lowered;
	[smem:$0x3FD2] =	sst s25  }
0xa7: {  	s6 =	sshll.u32 s26, $0x1;
	_ =	strace $0x80000046;
	[dreg:$0x1] =	wrdreg $0xFFFFFFFF  }
0xa8: {  	s28 =	simm.s32 $_size_execute0_lowered;
	s4 =	sadd.s32 s4, s6;
	[dreg:$0x0] =	wrdreg $0x0  }
0xa9: {  	s6 =	sshll.u32 s28, $0x1;
	[dreg:$0x2] =	wrdreg s4  }
0xaa: {  	[dreg:$0x3] =	wrdreg s6  }
0xab: {  	[dreg:$0x4] =	wrdreg $0xC0  }
0xac: {  	_ =	task [dreg:s8], $0x5FFFF  }
0xad: {  	[dreg:$0x1] =	wrdreg $0xFFFFFFFF  }
0xae: {  	[dreg:$0x0] =	wrdreg $0x60  }
0xaf: {  	[dreg:$0x2] =	wrdreg s2  }
0xb0: {  	[dreg:$0x3] =	wrdreg s24  }
0xb1: {  	[dreg:$0x4] =	wrdreg s18  }
0xb2: {  	[dreg:$0x5] =	wrdreg $0x9  }
0xb3: {  	_ =	task.clear_ibuf [dreg:s8], $0x6FFFF;
	_ =	strace $0x90000046  }
0xb4: {  	s29 =	simm.s32 $0x9;
	_ =	strace $0x80000048  }
0xb5: {  	_ =	swait.ge [sflag:s29], $0x1  }
0xb6: {  	[sflag:s29] =	ssyncadd.s32 $0xFFFFFFFF  }
0xb7: {  	_ =	strace $0x90000048  }
0xb8: {  	_ =	sfence  }
0xb9: {  	s30 =	sld [smem:$0x0];
	_ =	sdelay $0x2  }
0xba: {  	s31 =	sshll.u32 s1, $0xD;
	s1 =	sshrl.u32 s1, $0x2  }
0xbb: {  	s3 =	sand.u32 $0x4000, s31;
	s1 =	sadd.s32 s1, s30  }
0xbc: {  	s0 =	sor.u32 s3, s0;
	s1 =	sshll.u32 s1, $0x11  }
0xbd: {  	s0 =	sor.u32 s1, s0  }
0xbe: {  	s0 =	sadd.s32 $0x8F2B, s0  }
0xbf: {  	[sflag:s0] =	ssyncadd.remote.s32 $0x1  }
0xc0: {  	_ =	sfence.sel $0xFFFF  }
0xc1: {  	[dreg:$0x0] =	wrdreg $0xFFFFFFFF;
	(pc) =	sbr.abs _section_cstart, $3  }
0xc2: {  	[dreg:$0x1] =	wrdreg $0xFFFFFFFF  }
0xc3: {  	_ =	task.clear_ibuf [dreg:s8], $0x2FFFF;
	_ =	strace $0x9FFFFFFF  }
0xc4: {  	(tm) =	ssettm $0x7FFFFFFF  }
0xc5: {  	_ =	shalt  }
tec
execute0_lowered:
.L_overlay_start_1:
0x0: {  	(tag) =	ssettag $0x1  }
0x1: {  	s0 =	srdreg.scid  }
0x2: {  	s1 =	rddreg [dreg:$0x0];
	s3 =	stileid.u32;
	s0 =	sand.u32 $0x1, s0  }
0x3: {  	s2 =	rddreg [dreg:$0x1];
	s3 =	sshll.u32 s3, $0x8;
	s4 =	sshll.u32 s0, $0x7  }
0x4: {  	s5 =	rddreg [dreg:$0x2];
	s4 =	sor.u32 s4, s3;
	s3 =	simm.s32 $0x0  }
0x5: {  	s19 =	simm.s32 $0x8880;
	[smem:$0x7FF] =	sst s3  }
0x6: {  	s20 =	simm.s32 $0x9080;
	_ =	strace $0x80000047;
	[dreg:$0x8] =	wrdreg s19  }
0x7: {  	s21 =	simm.s32 $0x9880;
	[dreg:$0x9] =	wrdreg s20  }
0x8: {  	s22 =	simm.s32 $0xA080;
	[dreg:$0xa] =	wrdreg s21  }
0x9: {  	s23 =	simm.s32 $0xA880;
	[dreg:$0xb] =	wrdreg s22  }
0xa: {  	s24 =	simm.s32 $0xB080;
	[dreg:$0xc] =	wrdreg s23  }
0xb: {  	s25 =	simm.s32 $0xB880;
	[dreg:$0xd] =	wrdreg s24  }
0xc: {  	s26 =	simm.s32 $0xC080;
	[dreg:$0xe] =	wrdreg s25  }
0xd: {  	s7 =	simm.s32 $0xD880;
	s8 =	simm.s32 $0xE080;
	[dreg:$0xf] =	wrdreg s26  }
0xe: {  	s9 =	simm.s32 $0xE880;
	s10 =	simm.s32 $0xF080;
	[dreg:$0x12] =	wrdreg s7  }
0xf: {  	s11 =	simm.s32 $0xF880;
	s12 =	simm.s32 $0x10880;
	[dreg:$0x13] =	wrdreg s8  }
0x10: {  	s13 =	simm.s32 $0x11080;
	s14 =	simm.s32 $0x11880;
	[dreg:$0x14] =	wrdreg s9  }
0x11: {  	s15 =	simm.s32 $0x12080;
	s28 =	simm.s32 $0x1;
	[dreg:$0x15] =	wrdreg s10  }
0x12: {  	s31 =	simm.s32 $0x4;
	s29 =	simm.s32 $0x7880;
	[dreg:$0x16] =	wrdreg s11  }
0x13: {  	s30 =	simm.s32 $0x10080;
	s0 =	ssub.s32 $0x2, s0;
	[dreg:$0x17] =	wrdreg s12  }
0x14: {  	s6 =	sshrl.u32 s4, $0x3;
	s4 =	sshll.u32 s4, $0x7;
	[dreg:$0x18] =	wrdreg s13  }
0x15: {  	s2 =	sadd.s32 s6, s2;
	s4 =	sadd.s32 s5, s4;
	[dreg:$0x19] =	wrdreg s14  }
0x16: {  	s5 =	simm.s32 $0xD080;
	s6 =	sshrl.u32 s0, $0x1;
	[dreg:$0x1a] =	wrdreg s15  }
0x17: {  	s7 =	sadd.s32 $0x300, s1;
	s10 =	simm.s32 $0x80;
	[smem:$0x7F7] =	sst s4  }
0x18: {  	s19 =	simm.s32 $0x14080;
	s20 =	simm.s32 $0x14880;
	[dreg:$0x11] =	wrdreg s5  }
0x19: {  	s21 =	simm.s32 $0x15080;
	s22 =	simm.s32 $0x15880;
	[dreg:$0x1e] =	wrdreg s19  }
0x1a: {  	s23 =	simm.s32 $0x16080;
	s24 =	simm.s32 $0x16880;
	[dreg:$0x1f] =	wrdreg s20  }
0x1b: {  	s25 =	simm.s32 $0x17080;
	s26 =	simm.s32 $0x17880;
	[smem:$0x7F8] =	sst s21  }
0x1c: {  	s13 =	simm.s32 $0x880;
	s14 =	simm.s32 $0x1080;
	[smem:$0x7F9] =	sst s22  }
0x1d: {  	s15 =	simm.s32 $0x1880;
	s2 =	sadd.s32 $0xE00, s2;
	[smem:$0x7FA] =	sst s23  }
0x1e: {  	s16 =	sadd.s32 $0x1000, s4;
	s17 =	sadd.s32 $0x2000, s4;
	[smem:$0x7FB] =	sst s24  }
0x1f: {  	s18 =	sadd.s32 $0x3000, s4;
	s4 =	simm.s32 $0xC880;
	[smem:$0x7FC] =	sst s25  }
0x20: {  	s0 =	ssub.s32 s0, s6;
	s5 =	sadd.s32 $0x100, s1;
	[smem:$0x7FD] =	sst s26  }
0x21: {  	s6 =	sadd.s32 $0x200, s1;
	s19 =	simm.s32 $0x3880;
	[dreg:$0x4] =	wrdreg s2  }
0x22: {  	s20 =	simm.s32 $0x4080;
	s21 =	simm.s32 $0x4880;
	[dreg:$0x5] =	wrdreg s16  }
0x23: {  	s22 =	simm.s32 $0x5080;
	s23 =	simm.s32 $0x5880;
	[dreg:$0x6] =	wrdreg s17  }
0x24: {  	s24 =	simm.s32 $0x6080;
	s25 =	simm.s32 $0x6880;
	[dreg:$0x7] =	wrdreg s18  }
0x25: {  	s26 =	simm.s32 $0x7080;
	[dreg:$0x10] =	wrdreg s4;
	s16 =	simm.s32 $0x12880  }
0x26: {  	s8 =	smax.u32 s0, $0x1;
	s17 =	simm.s32 $0x13080;
	[dreg:$0x1b] =	wrdreg s16  }
0x27: {  	v2 =	vlaneseq.u32;
	s18 =	simm.s32 $0x13880;
	s2 =	simm.s32 $0x3;
	[dreg:$0x1c] =	wrdreg s17  }
0x28: {  	vm0 =	vmmov $0xffff;
	v1 =	vshrl.u32 v2, $0x3;
	s0 =	simm.s32 $0x5;
	s4 =	simm.s32 $0x6;
	[dreg:$0x1d] =	wrdreg s18  }
0x29: {  	v0 =	vand.u32 $0x7, v2;
	v2 =	vor.u32 $0x8, v2;
	v1 =	vmul.u32 $0x8, v1;
	s16 =	simm.s32 $0x2080;
	s17 =	simm.s32 $0x2880;
	s18 =	simm.s32 $0x3080  }
.LBB2_1:
0x2a: {  	s11 =	rddreg [dreg:$0x4];
	s9 =	simm.s32 $0x7  }
0x2b: {  	[tilespmem:s3], [sflag:$0x7] =	stream.linear.gather [hbm4b:s11+s3], $0x80, $0x38;
	[tilespmem:$0x18080] =	vst v63  }
0x2c: {  	_ =	swait.ge [sflag:s9], $0x80  }
0x2d: {  	[sflag:s9] =	ssyncset.done $0x0  }
0x2e: {  	[sflag:s9] =	ssyncadd.s32 $0xFFFFFF80  }
0x2f: {  	v3 =	vld [tilespmem:$0x0];
	_ =	sdelay $0x4  }
0x30: {  	v4 =	vshll.u32 v3, $0x3  }
0x31: {  	v3 =	vand.u32 $0x7, v3;
	v4 =	vand.u32 $0xFFFFFFC0, v4  }
0x32: {  	v3 =	vor.u32 v3, v4  }
0x33: {  	v4 =	vperm.xlane v3, v0;
	_ =	sdelay $0x1  }
0x34: {  	v4 =	vadd.s32 v1, v4;
	_ =	sdelay $0x4  }
0x35: {  	[tilespmem:s10], [sflag:$0x1] =	stream.indirect_vreg.gather [hbm4b:s1+s3], $0x80, v4, vm0, $0xb8;
	[tilespmem:$0x18080] =	vst v63  }
0x36: {  	v3 =	vperm.xlane v3, v2  }
0x37: {  	[tilespmem:s13], [sflag:$0x1] =	stream.indirect_vreg.gather [hbm4b:s5+s3], $0x80, v4, vm0, $0xb8;
	[tilespmem:$0x18080] =	vst v63  }
0x38: {  	v3 =	vadd.s32 v1, v3  }
0x39: {  	[tilespmem:s14], [sflag:$0x1] =	stream.indirect_vreg.gather [hbm4b:s6+s3], $0x80, v4, vm0, $0xb8;
	[tilespmem:$0x18080] =	vst v63  }
0x3a: {  	_ = 	snop  }
0x3b: {  	[tilespmem:s15], [sflag:$0x1] =	stream.indirect_vreg.gather [hbm4b:s7+s3], $0x80, v4, vm0, $0xb8;
	[tilespmem:$0x18080] =	vst v63  }
0x3c: {  	_ = 	snop  }
0x3d: {  	[tilespmem:s16], [sflag:$0x1] =	stream.indirect_vreg.gather [hbm4b:s1+s3], $0x80, v3, vm0, $0xb8;
	[tilespmem:$0x18080] =	vst v63  }
0x3e: {  	_ = 	snop  }
0x3f: {  	[tilespmem:s17], [sflag:$0x1] =	stream.indirect_vreg.gather [hbm4b:s5+s3], $0x80, v3, vm0, $0xb8;
	[tilespmem:$0x18080] =	vst v63  }
0x40: {  	_ = 	snop  }
0x41: {  	[tilespmem:s18], [sflag:$0x1] =	stream.indirect_vreg.gather [hbm4b:s6+s3], $0x80, v3, vm0, $0xb8;
	[tilespmem:$0x18080] =	vst v63  }
0x42: {  	_ = 	snop  }
0x43: {  	[tilespmem:s19], [sflag:$0x1] =	stream.indirect_vreg.gather [hbm4b:s7+s3], $0x80, v3, vm0, $0xb8;
	[tilespmem:$0x18080] =	vst v63  }
0x44: {  	v3 =	vld [tilespmem:$0x10];
	_ =	sdelay $0x4  }
0x45: {  	v57 =	vshll.u32 v3, $0x3  }
0x46: {  	v3 =	vand.u32 $0x7, v3;
	v4 =	vand.u32 $0xFFFFFFC0, v57  }
0x47: {  	v3 =	vor.u32 v3, v4  }
0x48: {  	v4 =	vperm.xlane v3, v0;
	_ =	sdelay $0x1  }
0x49: {  	v4 =	vadd.s32 v1, v4;
	_ =	sdelay $0x4  }
0x4a: {  	[tilespmem:s20], [sflag:$0x1] =	stream.indirect_vreg.gather [hbm4b:s1+s3], $0x80, v4, vm0, $0xb8;
	[tilespmem:$0x18080] =	vst v63  }
0x4b: {  	v3 =	vperm.xlane v3, v2  }
0x4c: {  	[tilespmem:s21], [sflag:$0x1] =	stream.indirect_vreg.gather [hbm4b:s5+s3], $0x80, v4, vm0, $0xb8;
	[tilespmem:$0x18080] =	vst v63  }
0x4d: {  	v3 =	vadd.s32 v1, v3  }
0x4e: {  	[tilespmem:s22], [sflag:$0x1] =	stream.indirect_vreg.gather [hbm4b:s6+s3], $0x80, v4, vm0, $0xb8;
	[tilespmem:$0x18080] =	vst v63  }
0x4f: {  	_ = 	snop  }
0x50: {  	[tilespmem:s23], [sflag:$0x1] =	stream.indirect_vreg.gather [hbm4b:s7+s3], $0x80, v4, vm0, $0xb8;
	[tilespmem:$0x18080] =	vst v63  }
0x51: {  	_ = 	snop  }
0x52: {  	[tilespmem:s24], [sflag:$0x1] =	stream.indirect_vreg.gather [hbm4b:s1+s3], $0x80, v3, vm0, $0xb8;
	[tilespmem:$0x18080] =	vst v63  }
0x53: {  	_ = 	snop  }
0x54: {  	[tilespmem:s25], [sflag:$0x1] =	stream.indirect_vreg.gather [hbm4b:s5+s3], $0x80, v3, vm0, $0xb8;
	[tilespmem:$0x18080] =	vst v63  }
0x55: {  	_ = 	snop  }
0x56: {  	[tilespmem:s26], [sflag:$0x1] =	stream.indirect_vreg.gather [hbm4b:s6+s3], $0x80, v3, vm0, $0xb8;
	[tilespmem:$0x18080] =	vst v63  }
0x57: {  	_ = 	snop  }
0x58: {  	[tilespmem:s29], [sflag:$0x1] =	stream.indirect_vreg.gather [hbm4b:s7+s3], $0x80, v3, vm0, $0xb8;
	[tilespmem:$0x18080] =	vst v63  }
0x59: {  	v3 =	vld [tilespmem:$0x20];
	_ =	sdelay $0x4  }
0x5a: {  	v58 =	vshll.u32 v3, $0x3  }
0x5b: {  	v3 =	vand.u32 $0x7, v3;
	v4 =	vand.u32 $0xFFFFFFC0, v58  }
0x5c: {  	v3 =	vor.u32 v3, v4  }
0x5d: {  	v4 =	vperm.xlane v3, v0;
	_ =	sdelay $0x1  }
0x5e: {  	v4 =	vadd.s32 v1, v4;
	_ =	sdelay $0x3  }
0x5f: {  	s9 =	simm.s32 $0x8080  }
0x60: {  	[tilespmem:s9], [sflag:$0x2] =	stream.indirect_vreg.gather [hbm4b:s1+s3], $0x80, v4, vm0, $0xb8;
	[tilespmem:$0x18080] =	vst v63  }
0x61: {  	s11 =	rddreg [dreg:$0x8];
	v3 =	vperm.xlane v3, v2  }
0x62: {  	[tilespmem:s11], [sflag:$0x2] =	stream.indirect_vreg.gather [hbm4b:s5+s3], $0x80, v4, vm0, $0xb8;
	[tilespmem:$0x18080] =	vst v63  }
0x63: {  	s12 =	rddreg [dreg:$0x9];
	v3 =	vadd.s32 v1, v3  }
0x64: {  	[tilespmem:s12], [sflag:$0x2] =	stream.indirect_vreg.gather [hbm4b:s6+s3], $0x80, v4, vm0, $0xb8;
	[tilespmem:$0x18080] =	vst v63  }
0x65: {  	s11 =	rddreg [dreg:$0xa]  }
0x66: {  	[tilespmem:s11], [sflag:$0x2] =	stream.indirect_vreg.gather [hbm4b:s7+s3], $0x80, v4, vm0, $0xb8;
	[tilespmem:$0x18080] =	vst v63  }
0x67: {  	s12 =	rddreg [dreg:$0xb]  }
0x68: {  	[tilespmem:s12], [sflag:$0x2] =	stream.indirect_vreg.gather [hbm4b:s1+s3], $0x80, v3, vm0, $0xb8;
	[tilespmem:$0x18080] =	vst v63  }
0x69: {  	s11 =	rddreg [dreg:$0xc]  }
0x6a: {  	[tilespmem:s11], [sflag:$0x2] =	stream.indirect_vreg.gather [hbm4b:s5+s3], $0x80, v3, vm0, $0xb8;
	[tilespmem:$0x18080] =	vst v63  }
0x6b: {  	s12 =	rddreg [dreg:$0xd]  }
0x6c: {  	[tilespmem:s12], [sflag:$0x2] =	stream.indirect_vreg.gather [hbm4b:s6+s3], $0x80, v3, vm0, $0xb8;
	[tilespmem:$0x18080] =	vst v63  }
0x6d: {  	s11 =	rddreg [dreg:$0xe]  }
0x6e: {  	[tilespmem:s11], [sflag:$0x2] =	stream.indirect_vreg.gather [hbm4b:s7+s3], $0x80, v3, vm0, $0xb8;
	[tilespmem:$0x18080] =	vst v63  }
0x6f: {  	v3 =	vld [tilespmem:$0x30];
	_ =	sdelay $0x4  }
0x70: {  	v59 =	vshll.u32 v3, $0x3  }
0x71: {  	v3 =	vand.u32 $0x7, v3;
	v4 =	vand.u32 $0xFFFFFFC0, v59  }
0x72: {  	v3 =	vor.u32 v3, v4  }
0x73: {  	v4 =	vperm.xlane v3, v0;
	_ =	sdelay $0x1  }
0x74: {  	v4 =	vadd.s32 v1, v4;
	_ =	sdelay $0x3  }
0x75: {  	s11 =	rddreg [dreg:$0xf]  }
0x76: {  	[tilespmem:s11], [sflag:$0x2] =	stream.indirect_vreg.gather [hbm4b:s1+s3], $0x80, v4, vm0, $0xb8;
	[tilespmem:$0x18080] =	vst v63  }
0x77: {  	s12 =	rddreg [dreg:$0x10];
	v3 =	vperm.xlane v3, v2  }
0x78: {  	[tilespmem:s12], [sflag:$0x2] =	stream.indirect_vreg.gather [hbm4b:s5+s3], $0x80, v4, vm0, $0xb8;
	[tilespmem:$0x18080] =	vst v63  }
0x79: {  	v3 =	vadd.s32 v1, v3;
	s11 =	rddreg [dreg:$0x11]  }
0x7a: {  	[tilespmem:s11], [sflag:$0x2] =	stream.indirect_vreg.gather [hbm4b:s6+s3], $0x80, v4, vm0, $0xb8;
	[tilespmem:$0x18080] =	vst v63  }
0x7b: {  	s12 =	rddreg [dreg:$0x12]  }
0x7c: {  	[tilespmem:s12], [sflag:$0x2] =	stream.indirect_vreg.gather [hbm4b:s7+s3], $0x80, v4, vm0, $0xb8;
	[tilespmem:$0x18080] =	vst v63  }
0x7d: {  	s11 =	rddreg [dreg:$0x13]  }
0x7e: {  	[tilespmem:s11], [sflag:$0x2] =	stream.indirect_vreg.gather [hbm4b:s1+s3], $0x80, v3, vm0, $0xb8;
	[tilespmem:$0x18080] =	vst v63  }
0x7f: {  	s12 =	rddreg [dreg:$0x14]  }
0x80: {  	[tilespmem:s12], [sflag:$0x2] =	stream.indirect_vreg.gather [hbm4b:s5+s3], $0x80, v3, vm0, $0xb8;
	[tilespmem:$0x18080] =	vst v63  }
0x81: {  	s11 =	rddreg [dreg:$0x15]  }
0x82: {  	[tilespmem:s11], [sflag:$0x2] =	stream.indirect_vreg.gather [hbm4b:s6+s3], $0x80, v3, vm0, $0xb8;
	[tilespmem:$0x18080] =	vst v63  }
0x83: {  	s12 =	rddreg [dreg:$0x16]  }
0x84: {  	[tilespmem:s12], [sflag:$0x2] =	stream.indirect_vreg.gather [hbm4b:s7+s3], $0x80, v3, vm0, $0xb8;
	[tilespmem:$0x18080] =	vst v63  }
0x85: {  	_ =	swait.ge [sflag:s28], $0x8000  }
0x86: {  	s12 =	sld [smem:$0x7F7]  }
0x87: {  	[sflag:s28] =	ssyncset.done $0x0  }
0x88: {  	[sflag:s28] =	ssyncadd.s32 $0xFFFF8000  }
0x89: {  	[hbm4b:s12+s3] =	stream.linear.scatter [tilespmem:s10], [sflag:$0x4], $0x8000, $0x38;
	[tilespmem:$0x18080] =	vst v63  }
0x8a: {  	v3 =	vld [tilespmem:$0x40];
	_ =	sdelay $0x4  }
0x8b: {  	v60 =	vshll.u32 v3, $0x3  }
0x8c: {  	v3 =	vand.u32 $0x7, v3;
	v4 =	vand.u32 $0xFFFFFFC0, v60  }
0x8d: {  	v3 =	vor.u32 v3, v4  }
0x8e: {  	v4 =	vperm.xlane v3, v0;
	_ =	sdelay $0x1  }
0x8f: {  	v4 =	vadd.s32 v1, v4;
	_ =	sdelay $0x4  }
0x90: {  	[tilespmem:s30], [sflag:$0x3] =	stream.indirect_vreg.gather [hbm4b:s1+s3], $0x80, v4, vm0, $0xb8;
	[tilespmem:$0x18080] =	vst v63  }
0x91: {  	s11 =	rddreg [dreg:$0x17];
	v3 =	vperm.xlane v3, v2  }
0x92: {  	[tilespmem:s11], [sflag:$0x3] =	stream.indirect_vreg.gather [hbm4b:s5+s3], $0x80, v4, vm0, $0xb8;
	[tilespmem:$0x18080] =	vst v63  }
0x93: {  	s12 =	rddreg [dreg:$0x18];
	v3 =	vadd.s32 v1, v3  }
0x94: {  	[tilespmem:s12], [sflag:$0x3] =	stream.indirect_vreg.gather [hbm4b:s6+s3], $0x80, v4, vm0, $0xb8;
	[tilespmem:$0x18080] =	vst v63  }
0x95: {  	s11 =	rddreg [dreg:$0x19]  }
0x96: {  	[tilespmem:s11], [sflag:$0x3] =	stream.indirect_vreg.gather [hbm4b:s7+s3], $0x80, v4, vm0, $0xb8;
	[tilespmem:$0x18080] =	vst v63  }
0x97: {  	s12 =	rddreg [dreg:$0x1a]  }
0x98: {  	[tilespmem:s12], [sflag:$0x3] =	stream.indirect_vreg.gather [hbm4b:s1+s3], $0x80, v3, vm0, $0xb8;
	[tilespmem:$0x18080] =	vst v63  }
0x99: {  	s11 =	rddreg [dreg:$0x1b]  }
0x9a: {  	[tilespmem:s11], [sflag:$0x3] =	stream.indirect_vreg.gather [hbm4b:s5+s3], $0x80, v3, vm0, $0xb8;
	[tilespmem:$0x18080] =	vst v63  }
0x9b: {  	s12 =	rddreg [dreg:$0x1c]  }
0x9c: {  	[tilespmem:s12], [sflag:$0x3] =	stream.indirect_vreg.gather [hbm4b:s6+s3], $0x80, v3, vm0, $0xb8;
	[tilespmem:$0x18080] =	vst v63  }
0x9d: {  	s11 =	rddreg [dreg:$0x1d]  }
0x9e: {  	[tilespmem:s11], [sflag:$0x3] =	stream.indirect_vreg.gather [hbm4b:s7+s3], $0x80, v3, vm0, $0xb8;
	[tilespmem:$0x18080] =	vst v63  }
0x9f: {  	v3 =	vld [tilespmem:$0x50];
	_ =	sdelay $0x4  }
0xa0: {  	v61 =	vshll.u32 v3, $0x3  }
0xa1: {  	v3 =	vand.u32 $0x7, v3;
	v4 =	vand.u32 $0xFFFFFFC0, v61  }
0xa2: {  	v3 =	vor.u32 v3, v4  }
0xa3: {  	v4 =	vperm.xlane v3, v0;
	_ =	sdelay $0x1  }
0xa4: {  	v4 =	vadd.s32 v1, v4;
	_ =	sdelay $0x2  }
0xa5: {  	s12 =	rddreg [dreg:$0x1f]  }
0xa6: {  	s11 =	rddreg [dreg:$0x1e]  }
0xa7: {  	[tilespmem:s11], [sflag:$0x3] =	stream.indirect_vreg.gather [hbm4b:s1+s3], $0x80, v4, vm0, $0xb8;
	[tilespmem:$0x18080] =	vst v63  }
0xa8: {  	v3 =	vperm.xlane v3, v2;
	s11 =	sld [smem:$0x7F8]  }
0xa9: {  	[tilespmem:s12], [sflag:$0x3] =	stream.indirect_vreg.gather [hbm4b:s5+s3], $0x80, v4, vm0, $0xb8;
	[tilespmem:$0x18080] =	vst v63  }
0xaa: {  	v3 =	vadd.s32 v1, v3;
	s12 =	sld [smem:$0x7F9]  }
0xab: {  	[tilespmem:s11], [sflag:$0x3] =	stream.indirect_vreg.gather [hbm4b:s6+s3], $0x80, v4, vm0, $0xb8;
	[tilespmem:$0x18080] =	vst v63  }
0xac: {  	s11 =	sld [smem:$0x7FA]  }
0xad: {  	[tilespmem:s12], [sflag:$0x3] =	stream.indirect_vreg.gather [hbm4b:s7+s3], $0x80, v4, vm0, $0xb8;
	[tilespmem:$0x18080] =	vst v63  }
0xae: {  	s12 =	sld [smem:$0x7FB]  }
0xaf: {  	[tilespmem:s11], [sflag:$0x3] =	stream.indirect_vreg.gather [hbm4b:s1+s3], $0x80, v3, vm0, $0xb8;
	[tilespmem:$0x18080] =	vst v63  }
0xb0: {  	s11 =	sld [smem:$0x7FC]  }
0xb1: {  	[tilespmem:s12], [sflag:$0x3] =	stream.indirect_vreg.gather [hbm4b:s5+s3], $0x80, v3, vm0, $0xb8;
	[tilespmem:$0x18080] =	vst v63  }
0xb2: {  	s12 =	sld [smem:$0x7FD]  }
0xb3: {  	[tilespmem:s11], [sflag:$0x3] =	stream.indirect_vreg.gather [hbm4b:s6+s3], $0x80, v3, vm0, $0xb8;
	[tilespmem:$0x18080] =	vst v63  }
0xb4: {  	_ = 	snop  }
0xb5: {  	[tilespmem:s12], [sflag:$0x3] =	stream.indirect_vreg.gather [hbm4b:s7+s3], $0x80, v3, vm0, $0xb8;
	[tilespmem:$0x18080] =	vst v63  }
0xb6: {  	s12 =	simm.s32 $0x2  }
0xb7: {  	_ =	swait.ge [sflag:s12], $0x8000  }
0xb8: {  	[sflag:s12] =	ssyncset.done $0x0  }
0xb9: {  	s11 =	rddreg [dreg:$0x5];
	[sflag:s12] =	ssyncadd.s32 $0xFFFF8000  }
0xba: {  	[hbm4b:s11+s3] =	stream.linear.scatter [tilespmem:s9], [sflag:$0x5], $0x8000, $0x38;
	[tilespmem:$0x18080] =	vst v63  }
0xbb: {  	_ =	swait.ge [sflag:s31], $0x8000  }
0xbc: {  	[sflag:s31] =	ssyncset.done $0x0  }
0xbd: {  	[sflag:s31] =	ssyncadd.s32 $0xFFFF8000  }
0xbe: {  	v3 =	vld [tilespmem:$0x60];
	_ =	sdelay $0x4  }
0xbf: {  	v62 =	vshll.u32 v3, $0x3  }
0xc0: {  	v3 =	vand.u32 $0x7, v3;
	v4 =	vand.u32 $0xFFFFFFC0, v62  }
0xc1: {  	v3 =	vor.u32 v3, v4  }
0xc2: {  	v4 =	vperm.xlane v3, v0;
	_ =	sdelay $0x1  }
0xc3: {  	v4 =	vadd.s32 v1, v4;
	_ =	sdelay $0x4  }
0xc4: {  	[tilespmem:s10], [sflag:$0x1] =	stream.indirect_vreg.gather [hbm4b:s1+s3], $0x80, v4, vm0, $0xb8;
	[tilespmem:$0x18080] =	vst v63  }
0xc5: {  	v3 =	vperm.xlane v3, v2  }
0xc6: {  	[tilespmem:s13], [sflag:$0x1] =	stream.indirect_vreg.gather [hbm4b:s5+s3], $0x80, v4, vm0, $0xb8;
	[tilespmem:$0x18080] =	vst v63  }
0xc7: {  	v3 =	vadd.s32 v1, v3  }
0xc8: {  	[tilespmem:s14], [sflag:$0x1] =	stream.indirect_vreg.gather [hbm4b:s6+s3], $0x80, v4, vm0, $0xb8;
	[tilespmem:$0x18080] =	vst v63  }
0xc9: {  	_ = 	snop  }
0xca: {  	[tilespmem:s15], [sflag:$0x1] =	stream.indirect_vreg.gather [hbm4b:s7+s3], $0x80, v4, vm0, $0xb8;
	[tilespmem:$0x18080] =	vst v63  }
0xcb: {  	_ = 	snop  }
0xcc: {  	[tilespmem:s16], [sflag:$0x1] =	stream.indirect_vreg.gather [hbm4b:s1+s3], $0x80, v3, vm0, $0xb8;
	[tilespmem:$0x18080] =	vst v63  }
0xcd: {  	_ = 	snop  }
0xce: {  	[tilespmem:s17], [sflag:$0x1] =	stream.indirect_vreg.gather [hbm4b:s5+s3], $0x80, v3, vm0, $0xb8;
	[tilespmem:$0x18080] =	vst v63  }
0xcf: {  	_ = 	snop  }
0xd0: {  	[tilespmem:s18], [sflag:$0x1] =	stream.indirect_vreg.gather [hbm4b:s6+s3], $0x80, v3, vm0, $0xb8;
	[tilespmem:$0x18080] =	vst v63  }
0xd1: {  	_ = 	snop  }
0xd2: {  	[tilespmem:s19], [sflag:$0x1] =	stream.indirect_vreg.gather [hbm4b:s7+s3], $0x80, v3, vm0, $0xb8;
	[tilespmem:$0x18080] =	vst v63  }
0xd3: {  	v3 =	vld [tilespmem:$0x70];
	_ =	sdelay $0x4  }
0xd4: {  	v63 =	vshll.u32 v3, $0x3  }
0xd5: {  	v3 =	vand.u32 $0x7, v3;
	v4 =	vand.u32 $0xFFFFFFC0, v63  }
0xd6: {  	v3 =	vor.u32 v3, v4  }
0xd7: {  	v4 =	vperm.xlane v3, v0;
	_ =	sdelay $0x1  }
0xd8: {  	v4 =	vadd.s32 v1, v4;
	_ =	sdelay $0x4  }
0xd9: {  	[tilespmem:s20], [sflag:$0x1] =	stream.indirect_vreg.gather [hbm4b:s1+s3], $0x80, v4, vm0, $0xb8;
	[tilespmem:$0x18080] =	vst v63  }
0xda: {  	v3 =	vperm.xlane v3, v2  }
0xdb: {  	[tilespmem:s21], [sflag:$0x1] =	stream.indirect_vreg.gather [hbm4b:s5+s3], $0x80, v4, vm0, $0xb8;
	[tilespmem:$0x18080] =	vst v63  }
0xdc: {  	v3 =	vadd.s32 v1, v3  }
0xdd: {  	[tilespmem:s22], [sflag:$0x1] =	stream.indirect_vreg.gather [hbm4b:s6+s3], $0x80, v4, vm0, $0xb8;
	[tilespmem:$0x18080] =	vst v63  }
0xde: {  	_ = 	snop  }
0xdf: {  	[tilespmem:s23], [sflag:$0x1] =	stream.indirect_vreg.gather [hbm4b:s7+s3], $0x80, v4, vm0, $0xb8;
	[tilespmem:$0x18080] =	vst v63  }
0xe0: {  	_ = 	snop  }
0xe1: {  	[tilespmem:s24], [sflag:$0x1] =	stream.indirect_vreg.gather [hbm4b:s1+s3], $0x80, v3, vm0, $0xb8;
	[tilespmem:$0x18080] =	vst v63  }
0xe2: {  	_ = 	snop  }
0xe3: {  	[tilespmem:s25], [sflag:$0x1] =	stream.indirect_vreg.gather [hbm4b:s5+s3], $0x80, v3, vm0, $0xb8;
	[tilespmem:$0x18080] =	vst v63  }
0xe4: {  	_ = 	snop  }
0xe5: {  	[tilespmem:s26], [sflag:$0x1] =	stream.indirect_vreg.gather [hbm4b:s6+s3], $0x80, v3, vm0, $0xb8;
	[tilespmem:$0x18080] =	vst v63  }
0xe6: {  	_ = 	snop  }
0xe7: {  	[tilespmem:s29], [sflag:$0x1] =	stream.indirect_vreg.gather [hbm4b:s7+s3], $0x80, v3, vm0, $0xb8;
	[tilespmem:$0x18080] =	vst v63  }
0xe8: {  	_ =	swait.ge [sflag:s2], $0x8000  }
0xe9: {  	[sflag:s2] =	ssyncset.done $0x0  }
0xea: {  	s9 =	rddreg [dreg:$0x6];
	[sflag:s2] =	ssyncadd.s32 $0xFFFF8000  }
0xeb: {  	[hbm4b:s9+s3] =	stream.linear.scatter [tilespmem:s30], [sflag:$0x6], $0x8000, $0x38;
	[tilespmem:$0x18080] =	vst v63  }
0xec: {  	_ =	swait.ge [sflag:s28], $0x8000  }
0xed: {  	[sflag:s28] =	ssyncset.done $0x0  }
0xee: {  	s12 =	rddreg [dreg:$0x7];
	[sflag:s28] =	ssyncadd.s32 $0xFFFF8000  }
0xef: {  	[hbm4b:s12+s3] =	stream.linear.scatter [tilespmem:s10], [sflag:$0x4], $0x8000, $0x38;
	[tilespmem:$0x18080] =	vst v63  }
0xf0: {  	_ =	swait.ge [sflag:s0], $0x8000  }
0xf1: {  	[sflag:s0] =	ssyncset.done $0x0  }
0xf2: {  	[sflag:s0] =	ssyncadd.s32 $0xFFFF8000  }
0xf3: {  	p0 =	sne.s32 s8, $0x1;
	_ =	swait.ge [sflag:s4], $0x8000  }
.Ltmp0:
0xf4: {  	[sflag:s4] =	ssyncset.done $0x0;
	(pc) =	sbr.rel @p0 .LBB2_1-.Ltmp0, $4  }
0xf5: {  	[sflag:s4] =	ssyncadd.s32 $0xFFFF8000  }
0xf6: {  	_ =	swait.ge [sflag:s31], $0x8000  }
0xf7: {  	[sflag:s31] =	ssyncset.done $0x0  }
0xf8: {  	s8 =	sadd.s32 $0xFFFFFFFF, s8;
	[sflag:s31] =	ssyncadd.s32 $0xFFFF8000  }
0xf9: {  	_ =	sfence.sel $0x180000  }
0xfa: {  	[bflag:$0x0] =	sbarrier.arrive $0xFFFF  }
0xfb: {  	_ =	strace $0x90000047  }
0xfc: {  	s0 =	stileid.u32;
	[bflag:$0x2] =	sbarrier.arrive $0xFFFF  }
0xfd: {  	p0 =	sne.s32 s0, $0x0;
	s0 =	rddreg [dreg:$0x3]  }
0xfe: {  	s0 =	sadd.s32 @!p0 $0x100000, s0  }
0xff: {  	[sflag:s0] =	ssyncadd.tile.s32 @!p0 $0x1;
	_ =	shalt  }
.Lfunc_end2:
_tile_overlayer_lowered:
.L_overlay_start_2:
0x100: {  	(tag) =	ssettag $0x2  }
0x101: {  	s0 =	rddreg [dreg:$0x0];
	s2 =	stileid.u32  }
0x102: {  	s1 =	rddreg [dreg:$0x1];
	p0 =	sne.s32 s2, $0x0  }
0x103: {  	s3 =	rddreg [dreg:$0x2];
	[bflag:$0x3] =	sbarrier.arrive $0xFFFF;
	s2 =	simm.s32 @!p0 $0x1C07  }
0x104: {  	[timem:s3], [sflag:s2] =	dma.local @!p0 [hbm:s0], s1  }
0x105: {  	s0 =	simm.s32 @!p0 $0x7  }
0x106: {  	_ =	swait.ge @!p0 [sflag:s0], s1  }
0x107: {  	s1 =	ssub.s32 @!p0 $0x0, s1;
	[sflag:s0] =	ssyncset.done @!p0 $0x0  }
0x108: {  	[sflag:s0] =	ssyncadd.s32 @!p0 s1  }
0x109: {  	[bflag:$0x3] =	sbarrier.arrive $0xFFFF  }
0x10a: {  	_ =	shalt  }

// kernel: kernel.9.cloned.1.call-start
scs
__scs_entry_jumppad:
0x0: {  	(pc) =	sbr.rel $0x88, $3  }
0x1: {  	(tag) =	ssettag $0x0;
	lr =	simm.s32 $0x1  }
0x2: {  	[smem:$0x3F9E] =	sst lr;
	_ =	strace $0xD0000000  }
0x3: {  	_ = 	snop  }
0x4: {  	_ = 	snop  }
0x5: {  	_ = 	snop  }
0x6: {  	_ = 	snop  }
0x7: {  	_ = 	snop  }
__scs_overlays_trampoline_lowered:
0x8: {  	[smem:$0x3FAD] =	sst s0  }
0x9: {  	[smem:$0x3FAE] =	sst s1  }
0xa: {  	[smem:$0x3FAF] =	sst s2  }
0xb: {  	[smem:$0x3FB0] =	sst s3  }
0xc: {  	[smem:$0x3FB1] =	sst s4  }
0xd: {  	[smem:$0x3FB2] =	sst s5  }
0xe: {  	[smem:$0x3FB3] =	sst s6  }
0xf: {  	[smem:$0x3FB4] =	sst s7  }
0x10: {  	[smem:$0x3FB5] =	sst s8  }
0x11: {  	[smem:$0x3FB6] =	sst s9;
	s0 =	simm.s32 @!p0 $0x0  }
0x12: {  	s1 =	sld [smem:$0x3F9C];
	s0 =	simm.s32 @p0 $0x1  }
0x13: {  	[smem:$0x3FB7] =	sst s0;
	s0 =	simm.s32 @!p1 $0x0  }
0x14: {  	s2 =	sld [smem:$0x3F9B];
	s0 =	simm.s32 @p1 $0x1  }
0x15: {  	[smem:$0x3FB8] =	sst s0;
	s0 =	simm.s32 @!p2 $0x0  }
0x16: {  	s3 =	sld [smem:$0x3FDB];
	s0 =	simm.s32 @p2 $0x1  }
0x17: {  	s4 =	simm.s32 $0x1BF5;
	[smem:$0x3FBA] =	sst s0  }
0x18: {  	s0 =	sld [smem:$0x3F9D];
	_ =	swait.ge [sflag:s4], $0x0  }
0x19: {  	s7 =	sld [smem:$0x3F9E]  }
0x1a: {  	s8 =	sadd.s32 $0xFFFFE003, lr  }
0x1b: {  	s9 =	sadd.s32 $0xFFFFFEF7, lr;
	s5 =	simm.s32 $0xFFFFFFFF;
	p2 =	slt.u32 s8, $0xFFFFF086  }
0x1c: {  	p1 =	slt.u32 s9, $0xF7A;
	s5 =	simm.s32 @!p2 $0x0  }
0x1d: {  	s5 =	simm.s32 @p1 $0x1;
	p0 =	seq.s32 s7, s2  }
0x1e: {  	s7 =	smul.u32 @!p0 $0xF7A, s2;
	p2 =	seq.s32 @!p0 s5, $0x0  }
0x1f: {  	s9 =	smul.u32 $0xF7A, s1;
	s8 =	simm.s32 @!p0 $0x1BF5;
	p2 =	por !p2, p0  }
0x20: {  	[sflag:s8] =	ssyncset.s32 @!p0 $0xFFFFF086;
	s6 =	sadd.s32 @!p0 s3, s7;
	s7 =	simm.s32 @!p0 $0x108  }
0x21: {  	s3 =	sadd.s32 s3, s9;
	s6 =	sadd.s32 @!p0 $0x88, s6;
	s7 =	simm.s32 @p2 $0x1082  }
0x22: {  	[simem:s7], [sflag:s8] =	dma.local @!p0 [hbm:s6], $0xF7A  }
0x23: {  	s9 =	sor.u32 $0xD0000000, s2;
	s6 =	simm.s32 $0x108;
	_ =	swait.ge @!p0 [sflag:s8], $0x0  }
0x24: {  	s3 =	sadd.s32 $0x88, s3;
	s6 =	simm.s32 @!p1 $0x1082;
	[sflag:s4] =	ssyncset.s32 $0xFFFFF086  }
0x25: {  	[simem:s6], [sflag:s4] =	dma.local [hbm:s3], $0xF7A  }
0x26: {  	[smem:$0x3F9E] =	sst s1;
	(tag) =	ssettag s2;
	_ =	strace s9  }
0x27: {  	s1 =	sld [smem:$0x3FAE]  }
0x28: {  	s2 =	sld [smem:$0x3FAF]  }
0x29: {  	s4 =	sld [smem:$0x3FB1]  }
0x2a: {  	p0 =	seq.s32 s5, $0x0;
	s5 =	sld [smem:$0x3FB2]  }
0x2b: {  	s6 =	sld [smem:$0x3FB3]  }
0x2c: {  	s7 =	sld [smem:$0x3FB4]  }
0x2d: {  	s3 =	simm.s32 $0x108;
	s8 =	sld [smem:$0x3FB5]  }
0x2e: {  	s3 =	simm.s32 @!p0 $0x1082;
	s9 =	sld [smem:$0x3FB6]  }
0x2f: {  	lr =	sadd.s32 s0, s3;
	s0 =	sld [smem:$0x3FAD]  }
0x30: {  	s3 =	sld [smem:$0x3FB0]  }
0x31: {  	[smem:$0x3FB9] =	sst s10  }
0x32: {  	s10 =	sld [smem:$0x3FB7];
	_ =	sdelay $0x3  }
0x33: {  	p0 =	seq.s32 s10, $0x1;
	s10 =	sld [smem:$0x3FB9];
	_ =	sdelay $0x3  }
0x34: {  	[smem:$0x3FB9] =	sst s10  }
0x35: {  	s10 =	sld [smem:$0x3FB8];
	_ =	sdelay $0x3  }
0x36: {  	p1 =	seq.s32 s10, $0x1;
	s10 =	sld [smem:$0x3FB9];
	_ =	sdelay $0x3  }
0x37: {  	[smem:$0x3FB9] =	sst s10  }
0x38: {  	s10 =	sld [smem:$0x3FBA]  }
0x39: {  	_ = 	snop;
	(pc) =	sbr.ind lr, $3  }
0x3a: {  	_ = 	snop  }
0x3b: {  	_ = 	snop  }
0x3c: {  	p2 =	seq.s32 s10, $0x1;
	s10 =	sld [smem:$0x3FB9]  }
0x3d: {  	_ =	shalt  }
0x3e: {  	_ =	shalt  }
0x3f: {  	_ =	shalt  }
0x40: {  	_ =	shalt  }
0x41: {  	_ =	shalt  }
0x42: {  	_ =	shalt  }
0x43: {  	_ =	shalt  }
0x44: {  	_ =	shalt  }
0x45: {  	_ =	shalt  }
0x46: {  	_ =	shalt  }
0x47: {  	_ =	shalt  }
0x48: {  	_ =	shalt  }
0x49: {  	_ =	shalt  }
0x4a: {  	_ =	shalt  }
0x4b: {  	_ =	shalt  }
0x4c: {  	_ =	shalt  }
0x4d: {  	_ =	shalt  }
0x4e: {  	_ =	shalt  }
0x4f: {  	_ =	shalt  }
0x50: {  	_ =	shalt  }
0x51: {  	_ =	shalt  }
0x52: {  	_ =	shalt  }
0x53: {  	_ =	shalt  }
0x54: {  	_ =	shalt  }
0x55: {  	_ =	shalt  }
0x56: {  	_ =	shalt  }
0x57: {  	_ =	shalt  }
0x58: {  	_ =	shalt  }
0x59: {  	_ =	shalt  }
0x5a: {  	_ =	shalt  }
0x5b: {  	_ =	shalt  }
0x5c: {  	_ =	shalt  }
0x5d: {  	_ =	shalt  }
0x5e: {  	_ =	shalt  }
0x5f: {  	_ =	shalt  }
0x60: {  	_ =	shalt  }
0x61: {  	_ =	shalt  }
0x62: {  	_ =	shalt  }
0x63: {  	_ =	shalt  }
0x64: {  	_ =	shalt  }
0x65: {  	_ =	shalt  }
0x66: {  	_ =	shalt  }
0x67: {  	_ =	shalt  }
0x68: {  	_ =	shalt  }
0x69: {  	_ =	shalt  }
0x6a: {  	_ =	shalt  }
0x6b: {  	_ =	shalt  }
0x6c: {  	_ =	shalt  }
0x6d: {  	_ =	shalt  }
0x6e: {  	_ =	shalt  }
0x6f: {  	_ =	shalt  }
0x70: {  	_ =	shalt  }
0x71: {  	_ =	shalt  }
0x72: {  	_ =	shalt  }
0x73: {  	_ =	shalt  }
0x74: {  	_ =	shalt  }
0x75: {  	_ =	shalt  }
0x76: {  	_ =	shalt  }
0x77: {  	_ =	shalt  }
0x78: {  	_ =	shalt  }
0x79: {  	_ =	shalt  }
0x7a: {  	_ =	shalt  }
0x7b: {  	_ =	shalt  }
0x7c: {  	_ =	shalt  }
0x7d: {  	_ =	shalt  }
0x7e: {  	_ =	shalt  }
0x7f: {  	_ =	shalt  }
0x80: {  	_ =	shalt  }
0x81: {  	_ =	shalt  }
0x82: {  	_ =	shalt  }
0x83: {  	_ =	shalt  }
0x84: {  	_ =	shalt  }
0x85: {  	_ =	shalt  }
0x86: {  	_ =	shalt  }
0x87: {  	_ =	shalt  }
.Lfunc_end0:
.L_simem_size_0:
called_computation.1_lowered:
.L_overlay_start_0:
0x88: {  	s2 =	sld [smem:$0x3FD9]  }
0x89: {  	s3 =	sld [smem:$0x3FFE];
	_ =	sdelay $0x1  }
0x8a: {  	s1 =	srdreg.scid  }
0x8b: {  	s0 =	sand.u32 $0x1, s1  }
0x8c: {  	s17 =	sshll.u32 s0, $0xA;
	s2 =	sadd.s32 s3, s2  }
0x8d: {  	s2 =	sadd.s32 s2, s17  }
0x8e: {  	[smem:$0x3FC5] =	sst s2  }
0x8f: {  	_ = 	snop  }
0x90: {  	s18 =	sld [smem:$0x3FC7];
	(tm) =	ssettm $0x1  }
0x91: {  	s19 =	sld [smem:$0x3FFB];
	_ =	sdelay $0x3  }
0x92: {  	_ =	strace s19  }
0x93: {  	s2 =	sld [smem:$0x3FFC];
	_ =	sdelay $0x3  }
0x94: {  	_ =	strace s2  }
0x95: {  	s2 =	sld [smem:$0x3FFD];
	_ =	sdelay $0x3  }
0x96: {  	_ =	strace s2  }
0x97: {  	_ =	strace $0x8FFFFFFF  }
0x98: {  	s20 =	sld [smem:$0x3FDB];
	_ =	sdelay $0x1  }
0x99: {  	s4 =	simm.s32 $_scs_section_size  }
0x9a: {  	s5 =	simm.s32 $_size__tile_overlayer_lowered;
	s6 =	simm.s32 $_tile_overlayer_lowered  }
0x9b: {  	s7 =	simm.s32 $0x1BFF;
	s21 =	sshll.u32 s6, $0x1;
	s4 =	sadd.s32 s4, s20  }
0x9c: {  	s22 =	simm.s32 $0x0;
	s5 =	sshll.u32 s5, $0x1;
	s6 =	sadd.s32 s21, s4  }
0x9d: {  	[timem:s22], [sflag:s7] =	dma.local [hbm:s6], s5  }
0x9e: {  	_ =	swait.ge [sflag:s7], s5  }
0x9f: {  	s5 =	ssub.s32 $0x0, s5;
	[sflag:s7] =	ssyncset.done $0x0  }
0xa0: {  	[sflag:s7] =	ssyncadd.s32 s5;
	_ =	sdelay $0x1  }
0xa1: {  	s23 =	simm.s32 $0x1B8B  }
0xa2: {  	_ =	swait.ge [sflag:s23], $0x1  }
0xa3: {  	[sflag:s23] =	ssyncset.done $0x0  }
0xa4: {  	[sflag:s23] =	ssyncadd.s32 $0xFFFFFFFF  }
0xa5: {  	s5 =	sld [smem:$0x0]  }
0xa6: {  	s6 =	sand.u32 $0xFFFFFFFE, s1  }
0xa7: {  	p0 =	sne.s32 s1, s6  }
0xa8: {  	s6 =	sshll.u32 @p0 s6, $0xE  }
0xa9: {  	s6 =	sadd.s32 @p0 $0x11B8D, s6;
	s7 =	sshll.u32 @p0 s5, $0x11  }
0xaa: {  	s6 =	sor.u32 @p0 s7, s6  }
0xab: {  	[sflag:s6] =	ssyncadd.remote.s32 @p0 $0x1;
	_ =	sdelay $0x1  }
0xac: {  	s6 =	simm.s32 @p0 $0x1B8D  }
0xad: {  	_ =	swait.eq @p0 [sflag:s6], $0x1  }
0xae: {  	[sflag:s6] =	ssyncadd.s32 @p0 $0xFFFFFFFF  }
0xaf: {  	s7 =	sshll.u32 @!p0 s1, $0xE  }
0xb0: {  	s7 =	sor.u32 @!p0 $0x4000, s7;
	s6 =	simm.s32 @!p0 $0x1B8D  }
0xb1: {  	s5 =	sshll.u32 @!p0 s5, $0x11;
	s7 =	sadd.s32 @!p0 $0x11B8D, s7;
	_ =	swait.eq @!p0 [sflag:s6], $0x1  }
0xb2: {  	s5 =	sor.u32 @!p0 s5, s7;
	[sflag:s6] =	ssyncadd.s32 @!p0 $0xFFFFFFFF  }
0xb3: {  	s25 =	simm.s32 $0x1B8E;
	s24 =	sld [smem:$0x3FFE];
	[sflag:s5] =	ssyncadd.remote.s32 @!p0 $0x1  }
0xb4: {  	s26 =	simm.s32 $execute0_lowered;
	[smem:$0x3FD2] =	sst s25  }
0xb5: {  	s6 =	sshll.u32 s26, $0x1;
	_ =	strace $0x80000049;
	[dreg:$0x1] =	wrdreg $0xFFFFFFFF  }
0xb6: {  	s28 =	simm.s32 $_size_execute0_lowered;
	s4 =	sadd.s32 s4, s6;
	[dreg:$0x0] =	wrdreg $0x0  }
0xb7: {  	s6 =	sshll.u32 s28, $0x1;
	[dreg:$0x2] =	wrdreg s4  }
0xb8: {  	[dreg:$0x3] =	wrdreg s6  }
0xb9: {  	[dreg:$0x4] =	wrdreg $0xC0  }
0xba: {  	_ =	task [dreg:s22], $0x5FFFF  }
0xbb: {  	[dreg:$0x1] =	wrdreg $0xFFFFFFFF  }
0xbc: {  	[dreg:$0x0] =	wrdreg $0x60  }
0xbd: {  	[dreg:$0x2] =	wrdreg s18  }
0xbe: {  	[dreg:$0x3] =	wrdreg s24  }
0xbf: {  	[dreg:$0x4] =	wrdreg $0xA  }
0xc0: {  	_ =	task.clear_ibuf [dreg:s22], $0x5FFFF;
	_ =	strace $0x90000049  }
0xc1: {  	s29 =	simm.s32 $0xA;
	_ =	strace $0x8000004B  }
0xc2: {  	_ =	swait.ge [sflag:s29], $0x1  }
0xc3: {  	[sflag:s29] =	ssyncadd.s32 $0xFFFFFFFF  }
0xc4: {  	_ =	strace $0x9000004B  }
0xc5: {  	_ =	sfence  }
0xc6: {  	s30 =	sld [smem:$0x0];
	_ =	sdelay $0x2  }
0xc7: {  	s31 =	sshll.u32 s1, $0xD;
	s1 =	sshrl.u32 s1, $0x2  }
0xc8: {  	s4 =	sand.u32 $0x4000, s31;
	s1 =	sadd.s32 s1, s30  }
0xc9: {  	s0 =	sor.u32 s4, s0;
	s1 =	sshll.u32 s1, $0x11  }
0xca: {  	s0 =	sor.u32 s1, s0  }
0xcb: {  	s0 =	sadd.s32 $0x8F2B, s0  }
0xcc: {  	[sflag:s0] =	ssyncadd.remote.s32 $0x1  }
0xcd: {  	_ =	sfence.sel $0xFFFF  }
0xce: {  	[dreg:$0x0] =	wrdreg $0xFFFFFFFF;
	(pc) =	sbr.abs _section_cstart, $3  }
0xcf: {  	[dreg:$0x1] =	wrdreg $0xFFFFFFFF  }
0xd0: {  	_ =	task.clear_ibuf [dreg:s22], $0x2FFFF;
	_ =	strace $0x9FFFFFFF  }
0xd1: {  	(tm) =	ssettm $0x7FFFFFFF  }
tec
execute0_lowered:
.L_overlay_start_1:
0x0: {  	(tag) =	ssettag $0x1  }
0x1: {  	s0 =	srdreg.scid  }
0x2: {  	s1 =	stileid.u32;
	s0 =	sand.u32 $0x1, s0  }
0x3: {  	s2 =	rddreg [dreg:$0x0];
	s1 =	sshll.u32 s1, $0x8;
	s3 =	sshll.u32 s0, $0x7  }
0x4: {  	s4 =	rddreg [dreg:$0x1];
	s1 =	sor.u32 s3, s1;
	s3 =	simm.s32 $0x0  }
0x5: {  	s18 =	simm.s32 $0x8880;
	[smem:$0x7FF] =	sst s3  }
0x6: {  	s19 =	simm.s32 $0x9080;
	_ =	strace $0x8000004A;
	[dreg:$0x8] =	wrdreg s18  }
0x7: {  	s20 =	simm.s32 $0x9880;
	[dreg:$0x9] =	wrdreg s19  }
0x8: {  	s21 =	simm.s32 $0xA080;
	[dreg:$0xa] =	wrdreg s20  }
0x9: {  	s22 =	simm.s32 $0xA880;
	[dreg:$0xb] =	wrdreg s21  }
0xa: {  	s23 =	simm.s32 $0xB080;
	[dreg:$0xc] =	wrdreg s22  }
0xb: {  	s24 =	simm.s32 $0xB880;
	[dreg:$0xd] =	wrdreg s23  }
0xc: {  	s26 =	simm.s32 $0xC080;
	s6 =	simm.s32 $0xD080;
	[dreg:$0xe] =	wrdreg s24  }
0xd: {  	s7 =	simm.s32 $0xD880;
	s8 =	simm.s32 $0xE080;
	[dreg:$0xf] =	wrdreg s26  }
0xe: {  	s9 =	simm.s32 $0xE880;
	s10 =	simm.s32 $0xF080;
	[dreg:$0x11] =	wrdreg s6  }
0xf: {  	s11 =	simm.s32 $0xF880;
	s12 =	simm.s32 $0x10880;
	[dreg:$0x12] =	wrdreg s7  }
0x10: {  	s13 =	simm.s32 $0x11080;
	s30 =	simm.s32 $0x4;
	[dreg:$0x13] =	wrdreg s8  }
0x11: {  	s31 =	simm.s32 $0x3;
	s28 =	simm.s32 $0x7880;
	[dreg:$0x14] =	wrdreg s9  }
0x12: {  	s29 =	simm.s32 $0x10080;
	s0 =	ssub.s32 $0x2, s0;
	[dreg:$0x15] =	wrdreg s10  }
0x13: {  	s25 =	sshrl.u32 s0, $0x1;
	s5 =	sshrl.u32 s1, $0x3;
	[dreg:$0x16] =	wrdreg s11  }
0x14: {  	s1 =	sshll.u32 s1, $0x7;
	s0 =	ssub.s32 s0, s25;
	[dreg:$0x17] =	wrdreg s12  }
0x15: {  	s25 =	simm.s32 $0x17080;
	s5 =	sadd.s32 s5, s4;
	[dreg:$0x18] =	wrdreg s13  }
0x16: {  	s1 =	sadd.s32 s1, s4;
	s18 =	simm.s32 $0x13880;
	[smem:$0x7FC] =	sst s25  }
0x17: {  	s4 =	sadd.s32 $0x100, s2;
	s19 =	simm.s32 $0x14080;
	[dreg:$0x1d] =	wrdreg s18  }
0x18: {  	s6 =	sadd.s32 $0x300, s2;
	s20 =	simm.s32 $0x14880;
	[dreg:$0x1e] =	wrdreg s19  }
0x19: {  	s7 =	smax.u32 s0, $0x1;
	s21 =	simm.s32 $0x15080;
	[dreg:$0x1f] =	wrdreg s20  }
0x1a: {  	s9 =	simm.s32 $0x80;
	s22 =	simm.s32 $0x15880;
	[smem:$0x7F8] =	sst s21  }
0x1b: {  	s23 =	simm.s32 $0x16080;
	s24 =	simm.s32 $0x16880;
	[smem:$0x7F9] =	sst s22  }
0x1c: {  	s26 =	simm.s32 $0x17880;
	s0 =	simm.s32 $0x6;
	[smem:$0x7FA] =	sst s23  }
0x1d: {  	s12 =	simm.s32 $0x880;
	s13 =	simm.s32 $0x1080;
	[smem:$0x7FB] =	sst s24  }
0x1e: {  	s25 =	simm.s32 $0x7080;
	s14 =	sadd.s32 $0x1000, s5;
	[smem:$0x7FD] =	sst s26  }
0x1f: {  	s15 =	sadd.s32 $0x1200, s1;
	s16 =	sadd.s32 $0x2200, s1;
	[dreg:$0x3] =	wrdreg s14  }
0x20: {  	s17 =	sadd.s32 $0x3200, s1;
	s1 =	sadd.s32 $0x4200, s1;
	[dreg:$0x4] =	wrdreg s15  }
0x21: {  	s5 =	simm.s32 $0xC880;
	s26 =	simm.s32 $0x1;
	[dreg:$0x5] =	wrdreg s16  }
0x22: {  	s18 =	simm.s32 $0x3880;
	s19 =	simm.s32 $0x4080;
	[dreg:$0x6] =	wrdreg s17  }
0x23: {  	s20 =	simm.s32 $0x4880;
	s21 =	simm.s32 $0x5080;
	[dreg:$0x7] =	wrdreg s1  }
0x24: {  	s22 =	simm.s32 $0x5880;
	[dreg:$0x10] =	wrdreg s5;
	s14 =	simm.s32 $0x11880  }
0x25: {  	s23 =	simm.s32 $0x6080;
	s15 =	simm.s32 $0x12080;
	[dreg:$0x19] =	wrdreg s14  }
0x26: {  	s24 =	simm.s32 $0x6880;
	s16 =	simm.s32 $0x12880;
	[dreg:$0x1a] =	wrdreg s15  }
0x27: {  	v2 =	vlaneseq.u32;
	s5 =	sadd.s32 $0x200, s2;
	s17 =	simm.s32 $0x13080;
	[dreg:$0x1b] =	wrdreg s16  }
0x28: {  	vm0 =	vmmov $0xffff;
	v1 =	vshrl.u32 v2, $0x3;
	s1 =	simm.s32 $0x5;
	[dreg:$0x1c] =	wrdreg s17;
	s14 =	simm.s32 $0x1880  }
0x29: {  	v0 =	vand.u32 $0x7, v2;
	v2 =	vor.u32 $0x8, v2;
	v1 =	vmul.u32 $0x8, v1;
	s15 =	simm.s32 $0x2080;
	s16 =	simm.s32 $0x2880;
	s17 =	simm.s32 $0x3080  }
.LBB2_1:
0x2a: {  	s10 =	rddreg [dreg:$0x3];
	s8 =	simm.s32 $0x7  }
0x2b: {  	[tilespmem:s3], [sflag:$0x7] =	stream.linear.gather [hbm4b:s10+s3], $0x80, $0x38;
	[tilespmem:$0x18080] =	vst v63  }
0x2c: {  	_ =	swait.ge [sflag:s8], $0x80  }
0x2d: {  	[sflag:s8] =	ssyncset.done $0x0  }
0x2e: {  	[sflag:s8] =	ssyncadd.s32 $0xFFFFFF80  }
0x2f: {  	v3 =	vld [tilespmem:$0x0];
	_ =	sdelay $0x4  }
0x30: {  	v4 =	vshll.u32 v3, $0x3  }
0x31: {  	v3 =	vand.u32 $0x7, v3;
	v4 =	vand.u32 $0xFFFFFFC0, v4  }
0x32: {  	v3 =	vor.u32 v3, v4  }
0x33: {  	v4 =	vperm.xlane v3, v0;
	_ =	sdelay $0x1  }
0x34: {  	v4 =	vadd.s32 v1, v4;
	_ =	sdelay $0x4  }
0x35: {  	[tilespmem:s9], [sflag:$0x1] =	stream.indirect_vreg.gather [hbm4b:s2+s3], $0x80, v4, vm0, $0xb8;
	[tilespmem:$0x18080] =	vst v63  }
0x36: {  	v3 =	vperm.xlane v3, v2  }
0x37: {  	[tilespmem:s12], [sflag:$0x1] =	stream.indirect_vreg.gather [hbm4b:s4+s3], $0x80, v4, vm0, $0xb8;
	[tilespmem:$0x18080] =	vst v63  }
0x38: {  	v3 =	vadd.s32 v1, v3  }
0x39: {  	[tilespmem:s13], [sflag:$0x1] =	stream.indirect_vreg.gather [hbm4b:s5+s3], $0x80, v4, vm0, $0xb8;
	[tilespmem:$0x18080] =	vst v63  }
0x3a: {  	_ = 	snop  }
0x3b: {  	[tilespmem:s14], [sflag:$0x1] =	stream.indirect_vreg.gather [hbm4b:s6+s3], $0x80, v4, vm0, $0xb8;
	[tilespmem:$0x18080] =	vst v63  }
0x3c: {  	_ = 	snop  }
0x3d: {  	[tilespmem:s15], [sflag:$0x1] =	stream.indirect_vreg.gather [hbm4b:s2+s3], $0x80, v3, vm0, $0xb8;
	[tilespmem:$0x18080] =	vst v63  }
0x3e: {  	_ = 	snop  }
0x3f: {  	[tilespmem:s16], [sflag:$0x1] =	stream.indirect_vreg.gather [hbm4b:s4+s3], $0x80, v3, vm0, $0xb8;
	[tilespmem:$0x18080] =	vst v63  }
0x40: {  	_ = 	snop  }
0x41: {  	[tilespmem:s17], [sflag:$0x1] =	stream.indirect_vreg.gather [hbm4b:s5+s3], $0x80, v3, vm0, $0xb8;
	[tilespmem:$0x18080] =	vst v63  }
0x42: {  	_ = 	snop  }
0x43: {  	[tilespmem:s18], [sflag:$0x1] =	stream.indirect_vreg.gather [hbm4b:s6+s3], $0x80, v3, vm0, $0xb8;
	[tilespmem:$0x18080] =	vst v63  }
0x44: {  	v3 =	vld [tilespmem:$0x10];
	_ =	sdelay $0x4  }
0x45: {  	v57 =	vshll.u32 v3, $0x3  }
0x46: {  	v3 =	vand.u32 $0x7, v3;
	v4 =	vand.u32 $0xFFFFFFC0, v57  }
0x47: {  	v3 =	vor.u32 v3, v4  }
0x48: {  	v4 =	vperm.xlane v3, v0;
	_ =	sdelay $0x1  }
0x49: {  	v4 =	vadd.s32 v1, v4;
	_ =	sdelay $0x4  }
0x4a: {  	[tilespmem:s19], [sflag:$0x1] =	stream.indirect_vreg.gather [hbm4b:s2+s3], $0x80, v4, vm0, $0xb8;
	[tilespmem:$0x18080] =	vst v63  }
0x4b: {  	v3 =	vperm.xlane v3, v2  }
0x4c: {  	[tilespmem:s20], [sflag:$0x1] =	stream.indirect_vreg.gather [hbm4b:s4+s3], $0x80, v4, vm0, $0xb8;
	[tilespmem:$0x18080] =	vst v63  }
0x4d: {  	v3 =	vadd.s32 v1, v3  }
0x4e: {  	[tilespmem:s21], [sflag:$0x1] =	stream.indirect_vreg.gather [hbm4b:s5+s3], $0x80, v4, vm0, $0xb8;
	[tilespmem:$0x18080] =	vst v63  }
0x4f: {  	_ = 	snop  }
0x50: {  	[tilespmem:s22], [sflag:$0x1] =	stream.indirect_vreg.gather [hbm4b:s6+s3], $0x80, v4, vm0, $0xb8;
	[tilespmem:$0x18080] =	vst v63  }
0x51: {  	_ = 	snop  }
0x52: {  	[tilespmem:s23], [sflag:$0x1] =	stream.indirect_vreg.gather [hbm4b:s2+s3], $0x80, v3, vm0, $0xb8;
	[tilespmem:$0x18080] =	vst v63  }
0x53: {  	_ = 	snop  }
0x54: {  	[tilespmem:s24], [sflag:$0x1] =	stream.indirect_vreg.gather [hbm4b:s4+s3], $0x80, v3, vm0, $0xb8;
	[tilespmem:$0x18080] =	vst v63  }
0x55: {  	_ = 	snop  }
0x56: {  	[tilespmem:s25], [sflag:$0x1] =	stream.indirect_vreg.gather [hbm4b:s5+s3], $0x80, v3, vm0, $0xb8;
	[tilespmem:$0x18080] =	vst v63  }
0x57: {  	_ = 	snop  }
0x58: {  	[tilespmem:s28], [sflag:$0x1] =	stream.indirect_vreg.gather [hbm4b:s6+s3], $0x80, v3, vm0, $0xb8;
	[tilespmem:$0x18080] =	vst v63  }
0x59: {  	v3 =	vld [tilespmem:$0x20];
	_ =	sdelay $0x4  }
0x5a: {  	v58 =	vshll.u32 v3, $0x3  }
0x5b: {  	v3 =	vand.u32 $0x7, v3;
	v4 =	vand.u32 $0xFFFFFFC0, v58  }
0x5c: {  	v3 =	vor.u32 v3, v4  }
0x5d: {  	v4 =	vperm.xlane v3, v0;
	_ =	sdelay $0x1  }
0x5e: {  	v4 =	vadd.s32 v1, v4;
	_ =	sdelay $0x3  }
0x5f: {  	s8 =	simm.s32 $0x8080  }
0x60: {  	[tilespmem:s8], [sflag:$0x2] =	stream.indirect_vreg.gather [hbm4b:s2+s3], $0x80, v4, vm0, $0xb8;
	[tilespmem:$0x18080] =	vst v63  }
0x61: {  	s10 =	rddreg [dreg:$0x8];
	v3 =	vperm.xlane v3, v2  }
0x62: {  	[tilespmem:s10], [sflag:$0x2] =	stream.indirect_vreg.gather [hbm4b:s4+s3], $0x80, v4, vm0, $0xb8;
	[tilespmem:$0x18080] =	vst v63  }
0x63: {  	s11 =	rddreg [dreg:$0x9];
	v3 =	vadd.s32 v1, v3  }
0x64: {  	[tilespmem:s11], [sflag:$0x2] =	stream.indirect_vreg.gather [hbm4b:s5+s3], $0x80, v4, vm0, $0xb8;
	[tilespmem:$0x18080] =	vst v63  }
0x65: {  	s10 =	rddreg [dreg:$0xa]  }
0x66: {  	[tilespmem:s10], [sflag:$0x2] =	stream.indirect_vreg.gather [hbm4b:s6+s3], $0x80, v4, vm0, $0xb8;
	[tilespmem:$0x18080] =	vst v63  }
0x67: {  	s11 =	rddreg [dreg:$0xb]  }
0x68: {  	[tilespmem:s11], [sflag:$0x2] =	stream.indirect_vreg.gather [hbm4b:s2+s3], $0x80, v3, vm0, $0xb8;
	[tilespmem:$0x18080] =	vst v63  }
0x69: {  	s10 =	rddreg [dreg:$0xc]  }
0x6a: {  	[tilespmem:s10], [sflag:$0x2] =	stream.indirect_vreg.gather [hbm4b:s4+s3], $0x80, v3, vm0, $0xb8;
	[tilespmem:$0x18080] =	vst v63  }
0x6b: {  	s11 =	rddreg [dreg:$0xd]  }
0x6c: {  	[tilespmem:s11], [sflag:$0x2] =	stream.indirect_vreg.gather [hbm4b:s5+s3], $0x80, v3, vm0, $0xb8;
	[tilespmem:$0x18080] =	vst v63  }
0x6d: {  	s10 =	rddreg [dreg:$0xe]  }
0x6e: {  	[tilespmem:s10], [sflag:$0x2] =	stream.indirect_vreg.gather [hbm4b:s6+s3], $0x80, v3, vm0, $0xb8;
	[tilespmem:$0x18080] =	vst v63  }
0x6f: {  	v3 =	vld [tilespmem:$0x30];
	_ =	sdelay $0x4  }
0x70: {  	v59 =	vshll.u32 v3, $0x3  }
0x71: {  	v3 =	vand.u32 $0x7, v3;
	v4 =	vand.u32 $0xFFFFFFC0, v59  }
0x72: {  	v3 =	vor.u32 v3, v4  }
0x73: {  	v4 =	vperm.xlane v3, v0;
	_ =	sdelay $0x1  }
0x74: {  	v4 =	vadd.s32 v1, v4;
	_ =	sdelay $0x3  }
0x75: {  	s10 =	rddreg [dreg:$0xf]  }
0x76: {  	[tilespmem:s10], [sflag:$0x2] =	stream.indirect_vreg.gather [hbm4b:s2+s3], $0x80, v4, vm0, $0xb8;
	[tilespmem:$0x18080] =	vst v63  }
0x77: {  	s11 =	rddreg [dreg:$0x10];
	v3 =	vperm.xlane v3, v2  }
0x78: {  	[tilespmem:s11], [sflag:$0x2] =	stream.indirect_vreg.gather [hbm4b:s4+s3], $0x80, v4, vm0, $0xb8;
	[tilespmem:$0x18080] =	vst v63  }
0x79: {  	v3 =	vadd.s32 v1, v3;
	s10 =	rddreg [dreg:$0x11]  }
0x7a: {  	[tilespmem:s10], [sflag:$0x2] =	stream.indirect_vreg.gather [hbm4b:s5+s3], $0x80, v4, vm0, $0xb8;
	[tilespmem:$0x18080] =	vst v63  }
0x7b: {  	s11 =	rddreg [dreg:$0x12]  }
0x7c: {  	[tilespmem:s11], [sflag:$0x2] =	stream.indirect_vreg.gather [hbm4b:s6+s3], $0x80, v4, vm0, $0xb8;
	[tilespmem:$0x18080] =	vst v63  }
0x7d: {  	s10 =	rddreg [dreg:$0x13]  }
0x7e: {  	[tilespmem:s10], [sflag:$0x2] =	stream.indirect_vreg.gather [hbm4b:s2+s3], $0x80, v3, vm0, $0xb8;
	[tilespmem:$0x18080] =	vst v63  }
0x7f: {  	s11 =	rddreg [dreg:$0x14]  }
0x80: {  	[tilespmem:s11], [sflag:$0x2] =	stream.indirect_vreg.gather [hbm4b:s4+s3], $0x80, v3, vm0, $0xb8;
	[tilespmem:$0x18080] =	vst v63  }
0x81: {  	s10 =	rddreg [dreg:$0x15]  }
0x82: {  	[tilespmem:s10], [sflag:$0x2] =	stream.indirect_vreg.gather [hbm4b:s5+s3], $0x80, v3, vm0, $0xb8;
	[tilespmem:$0x18080] =	vst v63  }
0x83: {  	s11 =	rddreg [dreg:$0x16]  }
0x84: {  	[tilespmem:s11], [sflag:$0x2] =	stream.indirect_vreg.gather [hbm4b:s6+s3], $0x80, v3, vm0, $0xb8;
	[tilespmem:$0x18080] =	vst v63  }
0x85: {  	_ =	swait.ge [sflag:s26], $0x8000  }
0x86: {  	[sflag:s26] =	ssyncset.done $0x0  }
0x87: {  	s11 =	rddreg [dreg:$0x4];
	[sflag:s26] =	ssyncadd.s32 $0xFFFF8000  }
0x88: {  	[hbm4b:s11+s3] =	stream.linear.scatter [tilespmem:s9], [sflag:$0x4], $0x8000, $0x38;
	[tilespmem:$0x18080] =	vst v63  }
0x89: {  	v3 =	vld [tilespmem:$0x40];
	_ =	sdelay $0x4  }
0x8a: {  	v60 =	vshll.u32 v3, $0x3  }
0x8b: {  	v3 =	vand.u32 $0x7, v3;
	v4 =	vand.u32 $0xFFFFFFC0, v60  }
0x8c: {  	v3 =	vor.u32 v3, v4  }
0x8d: {  	v4 =	vperm.xlane v3, v0;
	_ =	sdelay $0x1  }
0x8e: {  	v4 =	vadd.s32 v1, v4;
	_ =	sdelay $0x4  }
0x8f: {  	[tilespmem:s29], [sflag:$0x3] =	stream.indirect_vreg.gather [hbm4b:s2+s3], $0x80, v4, vm0, $0xb8;
	[tilespmem:$0x18080] =	vst v63  }
0x90: {  	s10 =	rddreg [dreg:$0x17];
	v3 =	vperm.xlane v3, v2  }
0x91: {  	[tilespmem:s10], [sflag:$0x3] =	stream.indirect_vreg.gather [hbm4b:s4+s3], $0x80, v4, vm0, $0xb8;
	[tilespmem:$0x18080] =	vst v63  }
0x92: {  	s11 =	rddreg [dreg:$0x18];
	v3 =	vadd.s32 v1, v3  }
0x93: {  	[tilespmem:s11], [sflag:$0x3] =	stream.indirect_vreg.gather [hbm4b:s5+s3], $0x80, v4, vm0, $0xb8;
	[tilespmem:$0x18080] =	vst v63  }
0x94: {  	s10 =	rddreg [dreg:$0x19]  }
0x95: {  	[tilespmem:s10], [sflag:$0x3] =	stream.indirect_vreg.gather [hbm4b:s6+s3], $0x80, v4, vm0, $0xb8;
	[tilespmem:$0x18080] =	vst v63  }
0x96: {  	s11 =	rddreg [dreg:$0x1a]  }
0x97: {  	[tilespmem:s11], [sflag:$0x3] =	stream.indirect_vreg.gather [hbm4b:s2+s3], $0x80, v3, vm0, $0xb8;
	[tilespmem:$0x18080] =	vst v63  }
0x98: {  	s10 =	rddreg [dreg:$0x1b]  }
0x99: {  	[tilespmem:s10], [sflag:$0x3] =	stream.indirect_vreg.gather [hbm4b:s4+s3], $0x80, v3, vm0, $0xb8;
	[tilespmem:$0x18080] =	vst v63  }
0x9a: {  	s11 =	rddreg [dreg:$0x1c]  }
0x9b: {  	[tilespmem:s11], [sflag:$0x3] =	stream.indirect_vreg.gather [hbm4b:s5+s3], $0x80, v3, vm0, $0xb8;
	[tilespmem:$0x18080] =	vst v63  }
0x9c: {  	s10 =	rddreg [dreg:$0x1d]  }
0x9d: {  	[tilespmem:s10], [sflag:$0x3] =	stream.indirect_vreg.gather [hbm4b:s6+s3], $0x80, v3, vm0, $0xb8;
	[tilespmem:$0x18080] =	vst v63  }
0x9e: {  	v3 =	vld [tilespmem:$0x50];
	_ =	sdelay $0x4  }
0x9f: {  	v61 =	vshll.u32 v3, $0x3  }
0xa0: {  	v3 =	vand.u32 $0x7, v3;
	v4 =	vand.u32 $0xFFFFFFC0, v61  }
0xa1: {  	v3 =	vor.u32 v3, v4  }
0xa2: {  	v4 =	vperm.xlane v3, v0;
	_ =	sdelay $0x1  }
0xa3: {  	v4 =	vadd.s32 v1, v4;
	_ =	sdelay $0x2  }
0xa4: {  	s11 =	rddreg [dreg:$0x1f]  }
0xa5: {  	s10 =	rddreg [dreg:$0x1e]  }
0xa6: {  	[tilespmem:s10], [sflag:$0x3] =	stream.indirect_vreg.gather [hbm4b:s2+s3], $0x80, v4, vm0, $0xb8;
	[tilespmem:$0x18080] =	vst v63  }
0xa7: {  	v3 =	vperm.xlane v3, v2;
	s10 =	sld [smem:$0x7F8]  }
0xa8: {  	[tilespmem:s11], [sflag:$0x3] =	stream.indirect_vreg.gather [hbm4b:s4+s3], $0x80, v4, vm0, $0xb8;
	[tilespmem:$0x18080] =	vst v63  }
0xa9: {  	v3 =	vadd.s32 v1, v3;
	s11 =	sld [smem:$0x7F9]  }
0xaa: {  	[tilespmem:s10], [sflag:$0x3] =	stream.indirect_vreg.gather [hbm4b:s5+s3], $0x80, v4, vm0, $0xb8;
	[tilespmem:$0x18080] =	vst v63  }
0xab: {  	s10 =	sld [smem:$0x7FA]  }
0xac: {  	[tilespmem:s11], [sflag:$0x3] =	stream.indirect_vreg.gather [hbm4b:s6+s3], $0x80, v4, vm0, $0xb8;
	[tilespmem:$0x18080] =	vst v63  }
0xad: {  	s11 =	sld [smem:$0x7FB]  }
0xae: {  	[tilespmem:s10], [sflag:$0x3] =	stream.indirect_vreg.gather [hbm4b:s2+s3], $0x80, v3, vm0, $0xb8;
	[tilespmem:$0x18080] =	vst v63  }
0xaf: {  	s10 =	sld [smem:$0x7FC]  }
0xb0: {  	[tilespmem:s11], [sflag:$0x3] =	stream.indirect_vreg.gather [hbm4b:s4+s3], $0x80, v3, vm0, $0xb8;
	[tilespmem:$0x18080] =	vst v63  }
0xb1: {  	s11 =	sld [smem:$0x7FD]  }
0xb2: {  	[tilespmem:s10], [sflag:$0x3] =	stream.indirect_vreg.gather [hbm4b:s5+s3], $0x80, v3, vm0, $0xb8;
	[tilespmem:$0x18080] =	vst v63  }
0xb3: {  	_ = 	snop  }
0xb4: {  	[tilespmem:s11], [sflag:$0x3] =	stream.indirect_vreg.gather [hbm4b:s6+s3], $0x80, v3, vm0, $0xb8;
	[tilespmem:$0x18080] =	vst v63  }
0xb5: {  	s11 =	simm.s32 $0x2  }
0xb6: {  	_ =	swait.ge [sflag:s11], $0x8000  }
0xb7: {  	[sflag:s11] =	ssyncset.done $0x0  }
0xb8: {  	s10 =	rddreg [dreg:$0x5];
	[sflag:s11] =	ssyncadd.s32 $0xFFFF8000  }
0xb9: {  	[hbm4b:s10+s3] =	stream.linear.scatter [tilespmem:s8], [sflag:$0x5], $0x8000, $0x38;
	[tilespmem:$0x18080] =	vst v63  }
0xba: {  	_ =	swait.ge [sflag:s30], $0x8000  }
0xbb: {  	[sflag:s30] =	ssyncset.done $0x0  }
0xbc: {  	[sflag:s30] =	ssyncadd.s32 $0xFFFF8000  }
0xbd: {  	v3 =	vld [tilespmem:$0x60];
	_ =	sdelay $0x4  }
0xbe: {  	v62 =	vshll.u32 v3, $0x3  }
0xbf: {  	v3 =	vand.u32 $0x7, v3;
	v4 =	vand.u32 $0xFFFFFFC0, v62  }
0xc0: {  	v3 =	vor.u32 v3, v4  }
0xc1: {  	v4 =	vperm.xlane v3, v0;
	_ =	sdelay $0x1  }
0xc2: {  	v4 =	vadd.s32 v1, v4;
	_ =	sdelay $0x4  }
0xc3: {  	[tilespmem:s9], [sflag:$0x1] =	stream.indirect_vreg.gather [hbm4b:s2+s3], $0x80, v4, vm0, $0xb8;
	[tilespmem:$0x18080] =	vst v63  }
0xc4: {  	v3 =	vperm.xlane v3, v2  }
0xc5: {  	[tilespmem:s12], [sflag:$0x1] =	stream.indirect_vreg.gather [hbm4b:s4+s3], $0x80, v4, vm0, $0xb8;
	[tilespmem:$0x18080] =	vst v63  }
0xc6: {  	v3 =	vadd.s32 v1, v3  }
0xc7: {  	[tilespmem:s13], [sflag:$0x1] =	stream.indirect_vreg.gather [hbm4b:s5+s3], $0x80, v4, vm0, $0xb8;
	[tilespmem:$0x18080] =	vst v63  }
0xc8: {  	_ = 	snop  }
0xc9: {  	[tilespmem:s14], [sflag:$0x1] =	stream.indirect_vreg.gather [hbm4b:s6+s3], $0x80, v4, vm0, $0xb8;
	[tilespmem:$0x18080] =	vst v63  }
0xca: {  	_ = 	snop  }
0xcb: {  	[tilespmem:s15], [sflag:$0x1] =	stream.indirect_vreg.gather [hbm4b:s2+s3], $0x80, v3, vm0, $0xb8;
	[tilespmem:$0x18080] =	vst v63  }
0xcc: {  	_ = 	snop  }
0xcd: {  	[tilespmem:s16], [sflag:$0x1] =	stream.indirect_vreg.gather [hbm4b:s4+s3], $0x80, v3, vm0, $0xb8;
	[tilespmem:$0x18080] =	vst v63  }
0xce: {  	_ = 	snop  }
0xcf: {  	[tilespmem:s17], [sflag:$0x1] =	stream.indirect_vreg.gather [hbm4b:s5+s3], $0x80, v3, vm0, $0xb8;
	[tilespmem:$0x18080] =	vst v63  }
0xd0: {  	_ = 	snop  }
0xd1: {  	[tilespmem:s18], [sflag:$0x1] =	stream.indirect_vreg.gather [hbm4b:s6+s3], $0x80, v3, vm0, $0xb8;
	[tilespmem:$0x18080] =	vst v63  }
0xd2: {  	v3 =	vld [tilespmem:$0x70];
	_ =	sdelay $0x4  }
0xd3: {  	v63 =	vshll.u32 v3, $0x3  }
0xd4: {  	v3 =	vand.u32 $0x7, v3;
	v4 =	vand.u32 $0xFFFFFFC0, v63  }
0xd5: {  	v3 =	vor.u32 v3, v4  }
0xd6: {  	v4 =	vperm.xlane v3, v0;
	_ =	sdelay $0x1  }
0xd7: {  	v4 =	vadd.s32 v1, v4;
	_ =	sdelay $0x4  }
0xd8: {  	[tilespmem:s19], [sflag:$0x1] =	stream.indirect_vreg.gather [hbm4b:s2+s3], $0x80, v4, vm0, $0xb8;
	[tilespmem:$0x18080] =	vst v63  }
0xd9: {  	v3 =	vperm.xlane v3, v2  }
0xda: {  	[tilespmem:s20], [sflag:$0x1] =	stream.indirect_vreg.gather [hbm4b:s4+s3], $0x80, v4, vm0, $0xb8;
	[tilespmem:$0x18080] =	vst v63  }
0xdb: {  	v3 =	vadd.s32 v1, v3  }
0xdc: {  	[tilespmem:s21], [sflag:$0x1] =	stream.indirect_vreg.gather [hbm4b:s5+s3], $0x80, v4, vm0, $0xb8;
	[tilespmem:$0x18080] =	vst v63  }
0xdd: {  	_ = 	snop  }
0xde: {  	[tilespmem:s22], [sflag:$0x1] =	stream.indirect_vreg.gather [hbm4b:s6+s3], $0x80, v4, vm0, $0xb8;
	[tilespmem:$0x18080] =	vst v63  }
0xdf: {  	_ = 	snop  }
0xe0: {  	[tilespmem:s23], [sflag:$0x1] =	stream.indirect_vreg.gather [hbm4b:s2+s3], $0x80, v3, vm0, $0xb8;
	[tilespmem:$0x18080] =	vst v63  }
0xe1: {  	_ = 	snop  }
0xe2: {  	[tilespmem:s24], [sflag:$0x1] =	stream.indirect_vreg.gather [hbm4b:s4+s3], $0x80, v3, vm0, $0xb8;
	[tilespmem:$0x18080] =	vst v63  }
0xe3: {  	_ = 	snop  }
0xe4: {  	[tilespmem:s25], [sflag:$0x1] =	stream.indirect_vreg.gather [hbm4b:s5+s3], $0x80, v3, vm0, $0xb8;
	[tilespmem:$0x18080] =	vst v63  }
0xe5: {  	_ = 	snop  }
0xe6: {  	[tilespmem:s28], [sflag:$0x1] =	stream.indirect_vreg.gather [hbm4b:s6+s3], $0x80, v3, vm0, $0xb8;
	[tilespmem:$0x18080] =	vst v63  }
0xe7: {  	_ =	swait.ge [sflag:s31], $0x8000  }
0xe8: {  	[sflag:s31] =	ssyncset.done $0x0  }
0xe9: {  	s8 =	rddreg [dreg:$0x6];
	[sflag:s31] =	ssyncadd.s32 $0xFFFF8000  }
0xea: {  	[hbm4b:s8+s3] =	stream.linear.scatter [tilespmem:s29], [sflag:$0x6], $0x8000, $0x38;
	[tilespmem:$0x18080] =	vst v63  }
0xeb: {  	_ =	swait.ge [sflag:s26], $0x8000  }
0xec: {  	[sflag:s26] =	ssyncset.done $0x0  }
0xed: {  	s11 =	rddreg [dreg:$0x7];
	[sflag:s26] =	ssyncadd.s32 $0xFFFF8000  }
0xee: {  	[hbm4b:s11+s3] =	stream.linear.scatter [tilespmem:s9], [sflag:$0x4], $0x8000, $0x38;
	[tilespmem:$0x18080] =	vst v63  }
0xef: {  	_ =	swait.ge [sflag:s1], $0x8000  }
0xf0: {  	[sflag:s1] =	ssyncset.done $0x0  }
0xf1: {  	[sflag:s1] =	ssyncadd.s32 $0xFFFF8000  }
0xf2: {  	p0 =	sne.s32 s7, $0x1;
	_ =	swait.ge [sflag:s0], $0x8000  }
.Ltmp0:
0xf3: {  	[sflag:s0] =	ssyncset.done $0x0;
	(pc) =	sbr.rel @p0 .LBB2_1-.Ltmp0, $4  }
0xf4: {  	[sflag:s0] =	ssyncadd.s32 $0xFFFF8000  }
0xf5: {  	_ =	swait.ge [sflag:s30], $0x8000  }
0xf6: {  	[sflag:s30] =	ssyncset.done $0x0  }
0xf7: {  	s7 =	sadd.s32 $0xFFFFFFFF, s7;
	[sflag:s30] =	ssyncadd.s32 $0xFFFF8000  }
0xf8: {  	_ =	sfence.sel $0x180000  }
0xf9: {  	[bflag:$0x0] =	sbarrier.arrive $0xFFFF  }
0xfa: {  	_ =	strace $0x9000004A  }
0xfb: {  	s0 =	stileid.u32;
	[bflag:$0x2] =	sbarrier.arrive $0xFFFF  }
0xfc: {  	p0 =	sne.s32 s0, $0x0;
	s0 =	rddreg [dreg:$0x2]  }
0xfd: {  	s0 =	sadd.s32 @!p0 $0x100000, s0  }
0xfe: {  	[sflag:s0] =	ssyncadd.tile.s32 @!p0 $0x1;
	_ =	shalt  }
.Lfunc_end2:
_tile_overlayer_lowered:
.L_overlay_start_2:
0xff: {  	(tag) =	ssettag $0x2  }
0x100: {  	s0 =	rddreg [dreg:$0x0];
	s2 =	stileid.u32  }
0x101: {  	s1 =	rddreg [dreg:$0x1];
	p0 =	sne.s32 s2, $0x0  }
0x102: {  	s3 =	rddreg [dreg:$0x2];
	[bflag:$0x3] =	sbarrier.arrive $0xFFFF;
	s2 =	simm.s32 @!p0 $0x1C07  }
0x103: {  	[timem:s3], [sflag:s2] =	dma.local @!p0 [hbm:s0], s1  }
0x104: {  	s0 =	simm.s32 @!p0 $0x7  }
0x105: {  	_ =	swait.ge @!p0 [sflag:s0], s1  }
0x106: {  	s1 =	ssub.s32 @!p0 $0x0, s1;
	[sflag:s0] =	ssyncset.done @!p0 $0x0  }
0x107: {  	[sflag:s0] =	ssyncadd.s32 @!p0 s1  }
0x108: {  	[bflag:$0x3] =	sbarrier.arrive $0xFFFF  }
0x109: {  	_ =	shalt  }

</sc_bundles>
